<compile_context>
chip_gen: v7x
topology: tpu7x:2x2x1
jax: 0.10.2.dev20260603
libtpu: 0.0.44.dev20260713+nightly
codegen_flags: <defaults>
</compile_context>

<pallas_src>
import jax
import jax.numpy as jnp
from jax import lax
from jax.experimental import pallas as pl
from jax.experimental.pallas import tpu as pltpu
from jax.experimental.pallas import tpu_sc as plsc

N_NODES = 10000
D_FEAT = 128
HIDDEN = 128
N_CLASSES = 64
N_EDGES = 320000

NC = 2
NS = 16
NW = NC * NS
CHUNK = 128
N_HALF = 2
CHUNKS_PER_HALF = 40
CHUNKS_PER_TILE = N_HALF * CHUNKS_PER_HALF
E_PAD = NW * CHUNKS_PER_TILE * CHUNK
ROWS_PER_TILE = 640
N_ACC = NS * ROWS_PER_TILE


def _seg_sum_body(table, src_idx, dst_idx, zeros, out,
                  src_v, dst_v, rows_a, rows_b, acc, sem_a, sem_b):
    c = lax.axis_index("c")
    s = lax.axis_index("s")
    wid = s * NC + c

    rows_init = 624

    @pl.when(c == 0)
    def _():
        pltpu.sync_copy(table.at[pl.ds(s * rows_init, rows_init)],
                        acc.at[pl.ds(s * rows_init, rows_init)])

    @pl.when(jnp.logical_and(c == 0, s == NS - 1))
    def _():
        rem = N_NODES - NS * rows_init
        pltpu.sync_copy(table.at[pl.ds(NS * rows_init, rem)],
                        acc.at[pl.ds(NS * rows_init, rem)])
        pltpu.sync_copy(zeros.at[pl.ds(0, N_ACC - N_NODES)],
                        acc.at[pl.ds(N_NODES, N_ACC - N_NODES)])

    @pl.when(c == 1)
    def _():
        pltpu.sync_copy(zeros.at[pl.ds(s * ROWS_PER_TILE, ROWS_PER_TILE)],
                        acc.at[pl.ds(s * ROWS_PER_TILE, ROWS_PER_TILE)])

    plsc.subcore_barrier()

    for h in range(N_HALF):
        pltpu.sync_copy(src_idx.at[wid, h], src_v)
        pltpu.sync_copy(dst_idx.at[wid, h], dst_v)
        pltpu.async_copy(table.at[src_v.at[0]], rows_a, sem_a)

        def step(g, carry):
            j = 2 * g
            pltpu.async_copy(table.at[src_v.at[j + 1]], rows_b, sem_b)
            pltpu.make_async_copy(table.at[src_v.at[j]], rows_a, sem_a).wait()
            pltpu.sync_copy(rows_a, acc.at[dst_v.at[j]], add=True)

            @pl.when(j + 2 < CHUNKS_PER_HALF)
            def _():
                pltpu.async_copy(table.at[src_v.at[j + 2]], rows_a, sem_a)

            pltpu.make_async_copy(table.at[src_v.at[j + 1]], rows_b, sem_b).wait()
            pltpu.sync_copy(rows_b, acc.at[dst_v.at[j + 1]], add=True)
            return carry

        lax.fori_loop(0, CHUNKS_PER_HALF // 2, step, 0)

    plsc.subcore_barrier()

    def wstep(k, carry):
        off = s * ROWS_PER_TILE + k * CHUNK
        pltpu.sync_copy(acc.at[pl.ds(off, CHUNK)], rows_a)
        pltpu.sync_copy(rows_a, out.at[c, pl.ds(off, CHUNK)])
        return carry

    lax.fori_loop(0, ROWS_PER_TILE // CHUNK, wstep, 0)


_seg_sum = pl.kernel(
    _seg_sum_body,
    out_type=jax.ShapeDtypeStruct((NC, N_ACC, D_FEAT), jnp.float32),
    mesh=plsc.VectorSubcoreMesh(core_axis_name="c", subcore_axis_name="s"),
    scratch_types=[
        pltpu.VMEM((CHUNKS_PER_HALF, CHUNK), jnp.int32),
        pltpu.VMEM((CHUNKS_PER_HALF, CHUNK), jnp.int32),
        pltpu.VMEM((CHUNK, D_FEAT), jnp.float32),
        pltpu.VMEM((CHUNK, D_FEAT), jnp.float32),
        pltpu.VMEM_SHARED((N_ACC, D_FEAT), jnp.float32),
        pltpu.SemaphoreType.DMA,
        pltpu.SemaphoreType.DMA,
    ],
)


def _mlp1_body(p_ref, w1a_ref, gamma_ref, beta_ref, mean_ref, var_ref,
               w1b_ref, h_ref):
    z = p_ref[0] + p_ref[1]
    t = jnp.dot(z, w1a_ref[...], preferred_element_type=jnp.float32)
    rs = lax.rsqrt(var_ref[...] + 1e-5)
    t = (t - mean_ref[...]) * rs * gamma_ref[...] + beta_ref[...]
    t = jnp.maximum(t, 0.0)
    t = jnp.dot(t, w1b_ref[...], preferred_element_type=jnp.float32)
    h_ref[...] = jnp.maximum(t, 0.0)


def _mlp2_body(p_ref, w2a_ref, w2b_ref, o_ref):
    z = p_ref[0] + p_ref[1]
    t = jnp.dot(z, w2a_ref[...], preferred_element_type=jnp.float32)
    t = jnp.maximum(t, 0.0)
    t = jnp.dot(t, w2b_ref[...], preferred_element_type=jnp.float32)
    o_ref[...] = jnp.maximum(t, 0.0)


M_BLK = 1000
_GRID = (N_NODES // M_BLK,)


def _row_spec(d):
    return pl.BlockSpec((M_BLK, d), lambda i: (i, 0))


def _part_spec():
    return pl.BlockSpec((2, M_BLK, D_FEAT), lambda i: (0, i, 0))


def _full_spec(a, b):
    return pl.BlockSpec((a, b), lambda i: (0, 0))


_mlp1 = pl.pallas_call(
    _mlp1_body,
    grid=_GRID,
    in_specs=[
        _part_spec(),
        _full_spec(D_FEAT, HIDDEN),
        _full_spec(1, HIDDEN),
        _full_spec(1, HIDDEN),
        _full_spec(1, HIDDEN),
        _full_spec(1, HIDDEN),
        _full_spec(HIDDEN, HIDDEN),
    ],
    out_specs=_row_spec(HIDDEN),
    out_shape=jax.ShapeDtypeStruct((N_NODES, HIDDEN), jnp.float32),
)

_mlp2 = pl.pallas_call(
    _mlp2_body,
    grid=_GRID,
    in_specs=[
        _part_spec(),
        _full_spec(HIDDEN, HIDDEN),
        _full_spec(HIDDEN, N_CLASSES),
    ],
    out_specs=_row_spec(N_CLASSES),
    out_shape=jax.ShapeDtypeStruct((N_NODES, N_CLASSES), jnp.float32),
)


@jax.jit
def kernel(x, edge_index, W1a, bn_gamma, bn_beta, bn_mean, bn_var, W1b, W2a, W2b):
    ei = edge_index.astype(jnp.int32)
    pad = E_PAD - N_EDGES
    pad_dst = N_NODES + (jnp.arange(pad, dtype=jnp.int32) % (N_ACC - N_NODES))
    pad_src = jnp.arange(pad, dtype=jnp.int32) % N_NODES
    src = jnp.concatenate([ei[0], pad_src])
    dst = jnp.concatenate([ei[1], pad_dst])
    src3 = src.reshape(NW, N_HALF, CHUNKS_PER_HALF, CHUNK)
    dst3 = dst.reshape(NW, N_HALF, CHUNKS_PER_HALF, CHUNK)
    zeros = jnp.zeros((N_ACC, D_FEAT), jnp.float32)

    p1 = _seg_sum(x, src3, dst3, zeros)
    h = _mlp1(p1, W1a,
              bn_gamma.reshape(1, HIDDEN), bn_beta.reshape(1, HIDDEN),
              bn_mean.reshape(1, HIDDEN), bn_var.reshape(1, HIDDEN), W1b)
    p2 = _seg_sum(h, src3, dst3, zeros)
    return _mlp2(p2, W2a, W2b)

# --- scband reference (transcript-rebuilt; emitter-appended) ---
"""Pipeline reference for scband-cit-gin-90056874262918 (READ-ONLY COPY).

The authoritative reference and input builder live on the scoring server;
editing this copy changes nothing except your own understanding.
"""

import jax, jax.numpy as jnp
import numpy as np

N_NODES = 10000
N_EDGES = 320000
D_FEAT = 128
HIDDEN = 128
N_CLASSES = 64


def setup_inputs(seed: int = 0) -> dict:
    key = jax.random.key(seed)
    ks = jax.random.split(key, 8)
    x = jax.random.normal(ks[0], (N_NODES, D_FEAT), dtype=jnp.float32)
    edge_index = jax.random.randint(ks[1], (2, N_EDGES), 0, N_NODES, dtype=jnp.int64)
    # conv1 MLP: Linear(d_feat->hidden, no bias), BN(hidden), ReLU, Linear(hidden->hidden, no bias), ReLU
    s1 = 1.0 / np.sqrt(D_FEAT)
    W1a = jax.random.uniform(ks[2], (D_FEAT, HIDDEN), minval=-s1, maxval=s1, dtype=jnp.float32)
    bn_gamma = jnp.ones((HIDDEN,), dtype=jnp.float32)
    bn_beta = jnp.zeros((HIDDEN,), dtype=jnp.float32)
    bn_mean = jnp.zeros((HIDDEN,), dtype=jnp.float32)
    bn_var = jnp.ones((HIDDEN,), dtype=jnp.float32)
    s2 = 1.0 / np.sqrt(HIDDEN)
    W1b = jax.random.uniform(ks[3], (HIDDEN, HIDDEN), minval=-s2, maxval=s2, dtype=jnp.float32)
    # conv2 MLP: Linear(hidden->hidden, no bias), ReLU, Linear(hidden->num_classes, no bias), ReLU
    W2a = jax.random.uniform(ks[4], (HIDDEN, HIDDEN), minval=-s2, maxval=s2, dtype=jnp.float32)
    W2b = jax.random.uniform(ks[5], (HIDDEN, N_CLASSES), minval=-s2, maxval=s2, dtype=jnp.float32)
    return {"x": x, "edge_index": edge_index, "W1a": W1a, "bn_gamma": bn_gamma,
            "bn_beta": bn_beta, "bn_mean": bn_mean, "bn_var": bn_var,
            "W1b": W1b, "W2a": W2a, "W2b": W2b}


def reference(x, edge_index, W1a, bn_gamma, bn_beta, bn_mean, bn_var, W1b, W2a, W2b):
    # eval mode: dropout is identity; BN uses running stats
    src = edge_index[0]
    dst = edge_index[1]
    # --- conv1: GINConv with eps=0 -> nn(x + sum_{j in N(i)} x_j) ---
    agg1 = jax.ops.segment_sum(jnp.take(x, src, axis=0), dst, num_segments=N_NODES)
    h = x + agg1
    h = h @ W1a
    h = (h - bn_mean) / jnp.sqrt(bn_var + 1e-5) * bn_gamma + bn_beta
    h = jax.nn.relu(h)
    h = jax.nn.relu(h @ W1b)
    # --- conv2: GINConv with eps=0 ---
    agg2 = jax.ops.segment_sum(jnp.take(h, src, axis=0), dst, num_segments=N_NODES)
    h2 = h + agg2
    h2 = jax.nn.relu(h2 @ W2a)
    h2 = jax.nn.relu(h2 @ W2b)
    return h2

if __name__ == "__main__":
    import jax
    _d = setup_inputs()
    print(jax.jit(kernel)(*tuple(_d.values())))

</pallas_src>

<mosaic_0001>
#map = affine_map<(d0, d1) -> (0, 0)>
#map1 = affine_map<(d0, d1) -> (0, 0, 0, 0)>
#map2 = affine_map<(d0, d1) -> (0, 0, 0)>
module attributes {stable_mosaic.version = 14 : i64} {
  func.func @_seg_sum_body(%arg0: i32, %arg1: i32, %arg2: memref<10000x128xf32, #tpu.memory_space<hbm>>, %arg3: memref<32x2x40x128xi32, #tpu.memory_space<hbm>>, %arg4: memref<32x2x40x128xi32, #tpu.memory_space<hbm>>, %arg5: memref<10240x128xf32, #tpu.memory_space<hbm>>, %arg6: memref<2x10240x128xf32, #tpu.memory_space<hbm>>, %arg7: memref<40x128xi32, #tpu.memory_space<vmem>>, %arg8: memref<40x128xi32, #tpu.memory_space<vmem>>, %arg9: memref<128x128xf32, #tpu.memory_space<vmem>>, %arg10: memref<128x128xf32, #tpu.memory_space<vmem>>, %arg11: memref<10240x128xf32, #tpu.memory_space<vmem_shared>>, %arg12: memref<!tpu.dma_semaphore, #tpu.memory_space<semaphore_mem>>, %arg13: memref<!tpu.dma_semaphore, #tpu.memory_space<semaphore_mem>>) attributes {dimension_semantics = [#tpu.dimension_semantics<core_parallel>, #tpu.dimension_semantics<subcore_parallel>], iteration_bounds = array<i64: 2, 16>, scalar_prefetch = 0 : i64, scratch_operands = 7 : i64, tpu.core_type = #tpu.core_type<sc_vector_subcore>, window_params = [{transform_indices = #map}, {transform_indices = #map1}, {transform_indices = #map1}, {transform_indices = #map}, {transform_indices = #map2}]} {
    %mul3A = arith.constant 2 : i32
    %mul3A_0 = arith.muli %arg1, %mul3A : i32
    %add3A = arith.addi %mul3A_0, %arg0 : i32
    %eq3A = arith.constant 0 : i32
    %eq3A_1 = arith.cmpi eq, %arg0, %eq3A : i32
    %convert_element_type3A = arith.extui %eq3A_1 : i1 to i32
    %cond3A = arith.constant 0 : i32
    %cond3A_2 = arith.cmpi ne, %convert_element_type3A, %cond3A : i32
    scf.if %cond3A_2 {
      %mul3A_49 = arith.constant 624 : i32
      %mul3A_50 = arith.muli %arg1, %mul3A_49 : i32
      %mul3A_51 = arith.constant 624 : i32
      %mul3A_52 = arith.muli %arg1, %mul3A_51 : i32
      "tpu.region"() ({
        %run_scoped3A_53 = tpu.sem_alloc : memref<!tpu.dma_semaphore, #tpu.memory_space<semaphore_mem>>
        %dma_start3A_54 = arith.constant 0 : i32
        %dma_start3A_55 = tpu.memref_slice %arg11[%mul3A_52, %dma_start3A_54] : memref<10240x128xf32, #tpu.memory_space<vmem_shared>> -> memref<624x128xf32, #tpu.memory_space<vmem_shared>>
        %dma_start3A_56 = arith.constant 0 : i32
        %dma_start3A_57 = tpu.memref_slice %arg2[%mul3A_50, %dma_start3A_56] : memref<10000x128xf32, #tpu.memory_space<hbm>> -> memref<624x128xf32, #tpu.memory_space<hbm>>
        tpu.enqueue_dma source(%dma_start3A_57 : memref<624x128xf32, #tpu.memory_space<hbm>>) target(%dma_start3A_55 : memref<624x128xf32, #tpu.memory_space<vmem_shared>>) target_semaphore(%run_scoped3A_53 : memref<!tpu.dma_semaphore, #tpu.memory_space<semaphore_mem>>)
        %dma_wait3A = arith.constant 0 : i32
        %dma_wait3A_58 = tpu.memref_slice %arg11[%mul3A_52, %dma_wait3A] : memref<10240x128xf32, #tpu.memory_space<vmem_shared>> -> memref<624x128xf32, #tpu.memory_space<vmem_shared>>
        %dma_wait3A_59 = arith.constant 0 : i32
        %dma_wait3A_60 = tpu.memref_slice %arg2[%mul3A_50, %dma_wait3A_59] : memref<10000x128xf32, #tpu.memory_space<hbm>> -> memref<624x128xf32, #tpu.memory_space<hbm>>
        tpu.wait_dma2 semaphore(%run_scoped3A_53 : memref<!tpu.dma_semaphore, #tpu.memory_space<semaphore_mem>>) src(%dma_wait3A_60 : memref<624x128xf32, #tpu.memory_space<hbm>>) dst(%dma_wait3A_58 : memref<624x128xf32, #tpu.memory_space<vmem_shared>>)
        tpu.yield
      }) : () -> ()
    } else {
    }
    %eq3A_3 = arith.constant 0 : i32
    %eq3A_4 = arith.cmpi eq, %arg0, %eq3A_3 : i32
    %eq3A_5 = arith.constant 15 : i32
    %eq3A_6 = arith.cmpi eq, %arg1, %eq3A_5 : i32
    %and3A = arith.andi %eq3A_4, %eq3A_6 : i1
    %convert_element_type3A_7 = arith.extui %and3A : i1 to i32
    %cond3A_8 = arith.constant 0 : i32
    %cond3A_9 = arith.cmpi ne, %convert_element_type3A_7, %cond3A_8 : i32
    scf.if %cond3A_9 {
      "tpu.region"() ({
        %run_scoped3A_49 = tpu.sem_alloc : memref<!tpu.dma_semaphore, #tpu.memory_space<semaphore_mem>>
        %dma_start3A_50 = arith.constant 9984 : i32
        %dma_start3A_51 = arith.constant 0 : i32
        %dma_start3A_52 = tpu.memref_slice %arg11[%dma_start3A_50, %dma_start3A_51] : memref<10240x128xf32, #tpu.memory_space<vmem_shared>> -> memref<16x128xf32, #tpu.memory_space<vmem_shared>>
        %dma_start3A_53 = arith.constant 9984 : i32
        %dma_start3A_54 = arith.constant 0 : i32
        %dma_start3A_55 = tpu.memref_slice %arg2[%dma_start3A_53, %dma_start3A_54] : memref<10000x128xf32, #tpu.memory_space<hbm>> -> memref<16x128xf32, #tpu.memory_space<hbm>>
        tpu.enqueue_dma source(%dma_start3A_55 : memref<16x128xf32, #tpu.memory_space<hbm>>) target(%dma_start3A_52 : memref<16x128xf32, #tpu.memory_space<vmem_shared>>) target_semaphore(%run_scoped3A_49 : memref<!tpu.dma_semaphore, #tpu.memory_space<semaphore_mem>>)
        %dma_wait3A = arith.constant 9984 : i32
        %dma_wait3A_56 = arith.constant 0 : i32
        %dma_wait3A_57 = tpu.memref_slice %arg11[%dma_wait3A, %dma_wait3A_56] : memref<10240x128xf32, #tpu.memory_space<vmem_shared>> -> memref<16x128xf32, #tpu.memory_space<vmem_shared>>
        %dma_wait3A_58 = arith.constant 9984 : i32
        %dma_wait3A_59 = arith.constant 0 : i32
        %dma_wait3A_60 = tpu.memref_slice %arg2[%dma_wait3A_58, %dma_wait3A_59] : memref<10000x128xf32, #tpu.memory_space<hbm>> -> memref<16x128xf32, #tpu.memory_space<hbm>>
        tpu.wait_dma2 semaphore(%run_scoped3A_49 : memref<!tpu.dma_semaphore, #tpu.memory_space<semaphore_mem>>) src(%dma_wait3A_60 : memref<16x128xf32, #tpu.memory_space<hbm>>) dst(%dma_wait3A_57 : memref<16x128xf32, #tpu.memory_space<vmem_shared>>)
        tpu.yield
      }) : () -> ()
      "tpu.region"() ({
        %run_scoped3A_49 = tpu.sem_alloc : memref<!tpu.dma_semaphore, #tpu.memory_space<semaphore_mem>>
        %dma_start3A_50 = arith.constant 10000 : i32
        %dma_start3A_51 = arith.constant 0 : i32
        %dma_start3A_52 = tpu.memref_slice %arg11[%dma_start3A_50, %dma_start3A_51] : memref<10240x128xf32, #tpu.memory_space<vmem_shared>> -> memref<240x128xf32, #tpu.memory_space<vmem_shared>>
        %dma_start3A_53 = arith.constant 0 : i32
        %dma_start3A_54 = arith.constant 0 : i32
        %dma_start3A_55 = tpu.memref_slice %arg5[%dma_start3A_53, %dma_start3A_54] : memref<10240x128xf32, #tpu.memory_space<hbm>> -> memref<240x128xf32, #tpu.memory_space<hbm>>
        tpu.enqueue_dma source(%dma_start3A_55 : memref<240x128xf32, #tpu.memory_space<hbm>>) target(%dma_start3A_52 : memref<240x128xf32, #tpu.memory_space<vmem_shared>>) target_semaphore(%run_scoped3A_49 : memref<!tpu.dma_semaphore, #tpu.memory_space<semaphore_mem>>)
        %dma_wait3A = arith.constant 10000 : i32
        %dma_wait3A_56 = arith.constant 0 : i32
        %dma_wait3A_57 = tpu.memref_slice %arg11[%dma_wait3A, %dma_wait3A_56] : memref<10240x128xf32, #tpu.memory_space<vmem_shared>> -> memref<240x128xf32, #tpu.memory_space<vmem_shared>>
        %dma_wait3A_58 = arith.constant 0 : i32
        %dma_wait3A_59 = arith.constant 0 : i32
        %dma_wait3A_60 = tpu.memref_slice %arg5[%dma_wait3A_58, %dma_wait3A_59] : memref<10240x128xf32, #tpu.memory_space<hbm>> -> memref<240x128xf32, #tpu.memory_space<hbm>>
        tpu.wait_dma2 semaphore(%run_scoped3A_49 : memref<!tpu.dma_semaphore, #tpu.memory_space<semaphore_mem>>) src(%dma_wait3A_60 : memref<240x128xf32, #tpu.memory_space<hbm>>) dst(%dma_wait3A_57 : memref<240x128xf32, #tpu.memory_space<vmem_shared>>)
        tpu.yield
      }) : () -> ()
    } else {
    }
    %eq3A_10 = arith.constant 1 : i32
    %eq3A_11 = arith.cmpi eq, %arg0, %eq3A_10 : i32
    %convert_element_type3A_12 = arith.extui %eq3A_11 : i1 to i32
    %cond3A_13 = arith.constant 0 : i32
    %cond3A_14 = arith.cmpi ne, %convert_element_type3A_12, %cond3A_13 : i32
    scf.if %cond3A_14 {
      %mul3A_49 = arith.constant 640 : i32
      %mul3A_50 = arith.muli %arg1, %mul3A_49 : i32
      %mul3A_51 = arith.constant 640 : i32
      %mul3A_52 = arith.muli %arg1, %mul3A_51 : i32
      "tpu.region"() ({
        %run_scoped3A_53 = tpu.sem_alloc : memref<!tpu.dma_semaphore, #tpu.memory_space<semaphore_mem>>
        %dma_start3A_54 = arith.constant 0 : i32
        %dma_start3A_55 = tpu.memref_slice %arg11[%mul3A_52, %dma_start3A_54] : memref<10240x128xf32, #tpu.memory_space<vmem_shared>> -> memref<640x128xf32, #tpu.memory_space<vmem_shared>>
        %dma_start3A_56 = arith.constant 0 : i32
        %dma_start3A_57 = tpu.memref_slice %arg5[%mul3A_50, %dma_start3A_56] : memref<10240x128xf32, #tpu.memory_space<hbm>> -> memref<640x128xf32, #tpu.memory_space<hbm>>
        tpu.enqueue_dma source(%dma_start3A_57 : memref<640x128xf32, #tpu.memory_space<hbm>>) target(%dma_start3A_55 : memref<640x128xf32, #tpu.memory_space<vmem_shared>>) target_semaphore(%run_scoped3A_53 : memref<!tpu.dma_semaphore, #tpu.memory_space<semaphore_mem>>)
        %dma_wait3A = arith.constant 0 : i32
        %dma_wait3A_58 = tpu.memref_slice %arg11[%mul3A_52, %dma_wait3A] : memref<10240x128xf32, #tpu.memory_space<vmem_shared>> -> memref<640x128xf32, #tpu.memory_space<vmem_shared>>
        %dma_wait3A_59 = arith.constant 0 : i32
        %dma_wait3A_60 = tpu.memref_slice %arg5[%mul3A_50, %dma_wait3A_59] : memref<10240x128xf32, #tpu.memory_space<hbm>> -> memref<640x128xf32, #tpu.memory_space<hbm>>
        tpu.wait_dma2 semaphore(%run_scoped3A_53 : memref<!tpu.dma_semaphore, #tpu.memory_space<semaphore_mem>>) src(%dma_wait3A_60 : memref<640x128xf32, #tpu.memory_space<hbm>>) dst(%dma_wait3A_58 : memref<640x128xf32, #tpu.memory_space<vmem_shared>>)
        tpu.yield
      }) : () -> ()
    } else {
    }
    %barrier3A = arith.constant 0 : index
    tpu.barrier barrier_id(%barrier3A)
    %run_scoped3A = arith.constant 0 : i32
    "tpu.region"() ({
      %run_scoped3A_49 = tpu.sem_alloc : memref<!tpu.dma_semaphore, #tpu.memory_space<semaphore_mem>>
      %dma_start3A_50 = arith.constant 0 : i32
      %dma_start3A_51 = arith.constant 0 : i32
      %dma_start3A_52 = tpu.memref_slice %arg3[%add3A, %run_scoped3A, %dma_start3A_50, %dma_start3A_51] : memref<32x2x40x128xi32, #tpu.memory_space<hbm>> -> memref<1x1x40x128xi32, #tpu.memory_space<hbm>>
      %dma_start3A_53 = tpu.memref_squeeze %dma_start3A_52 : memref<1x1x40x128xi32, #tpu.memory_space<hbm>> -> memref<40x128xi32, #tpu.memory_space<hbm>>
      %dma_start3A_54 = arith.constant 0 : i32
      %dma_start3A_55 = arith.constant 0 : i32
      %dma_start3A_56 = tpu.memref_slice %arg3[%add3A, %run_scoped3A, %dma_start3A_54, %dma_start3A_55] : memref<32x2x40x128xi32, #tpu.memory_space<hbm>> -> memref<1x1x40x128xi32, #tpu.memory_space<hbm>>
      %dma_start3A_57 = tpu.memref_squeeze %dma_start3A_56 : memref<1x1x40x128xi32, #tpu.memory_space<hbm>> -> memref<40x128xi32, #tpu.memory_space<hbm>>
      tpu.enqueue_dma source(%dma_start3A_57 : memref<40x128xi32, #tpu.memory_space<hbm>>) target(%arg7 : memref<40x128xi32, #tpu.memory_space<vmem>>) target_semaphore(%run_scoped3A_49 : memref<!tpu.dma_semaphore, #tpu.memory_space<semaphore_mem>>)
      %dma_wait3A = arith.constant 0 : i32
      %dma_wait3A_58 = arith.constant 0 : i32
      %dma_wait3A_59 = tpu.memref_slice %arg3[%add3A, %run_scoped3A, %dma_wait3A, %dma_wait3A_58] : memref<32x2x40x128xi32, #tpu.memory_space<hbm>> -> memref<1x1x40x128xi32, #tpu.memory_space<hbm>>
      %dma_wait3A_60 = tpu.memref_squeeze %dma_wait3A_59 : memref<1x1x40x128xi32, #tpu.memory_space<hbm>> -> memref<40x128xi32, #tpu.memory_space<hbm>>
      %dma_wait3A_61 = arith.constant 0 : i32
      %dma_wait3A_62 = arith.constant 0 : i32
      %dma_wait3A_63 = tpu.memref_slice %arg3[%add3A, %run_scoped3A, %dma_wait3A_61, %dma_wait3A_62] : memref<32x2x40x128xi32, #tpu.memory_space<hbm>> -> memref<1x1x40x128xi32, #tpu.memory_space<hbm>>
      %dma_wait3A_64 = tpu.memref_squeeze %dma_wait3A_63 : memref<1x1x40x128xi32, #tpu.memory_space<hbm>> -> memref<40x128xi32, #tpu.memory_space<hbm>>
      tpu.wait_dma2 semaphore(%run_scoped3A_49 : memref<!tpu.dma_semaphore, #tpu.memory_space<semaphore_mem>>) src(%dma_wait3A_64 : memref<40x128xi32, #tpu.memory_space<hbm>>) dst(%arg7 : memref<40x128xi32, #tpu.memory_space<vmem>>)
      tpu.yield
    }) : () -> ()
    %run_scoped3A_15 = arith.constant 0 : i32
    "tpu.region"() ({
      %run_scoped3A_49 = tpu.sem_alloc : memref<!tpu.dma_semaphore, #tpu.memory_space<semaphore_mem>>
      %dma_start3A_50 = arith.constant 0 : i32
      %dma_start3A_51 = arith.constant 0 : i32
      %dma_start3A_52 = tpu.memref_slice %arg4[%add3A, %run_scoped3A_15, %dma_start3A_50, %dma_start3A_51] : memref<32x2x40x128xi32, #tpu.memory_space<hbm>> -> memref<1x1x40x128xi32, #tpu.memory_space<hbm>>
      %dma_start3A_53 = tpu.memref_squeeze %dma_start3A_52 : memref<1x1x40x128xi32, #tpu.memory_space<hbm>> -> memref<40x128xi32, #tpu.memory_space<hbm>>
      %dma_start3A_54 = arith.constant 0 : i32
      %dma_start3A_55 = arith.constant 0 : i32
      %dma_start3A_56 = tpu.memref_slice %arg4[%add3A, %run_scoped3A_15, %dma_start3A_54, %dma_start3A_55] : memref<32x2x40x128xi32, #tpu.memory_space<hbm>> -> memref<1x1x40x128xi32, #tpu.memory_space<hbm>>
      %dma_start3A_57 = tpu.memref_squeeze %dma_start3A_56 : memref<1x1x40x128xi32, #tpu.memory_space<hbm>> -> memref<40x128xi32, #tpu.memory_space<hbm>>
      tpu.enqueue_dma source(%dma_start3A_57 : memref<40x128xi32, #tpu.memory_space<hbm>>) target(%arg8 : memref<40x128xi32, #tpu.memory_space<vmem>>) target_semaphore(%run_scoped3A_49 : memref<!tpu.dma_semaphore, #tpu.memory_space<semaphore_mem>>)
      %dma_wait3A = arith.constant 0 : i32
      %dma_wait3A_58 = arith.constant 0 : i32
      %dma_wait3A_59 = tpu.memref_slice %arg4[%add3A, %run_scoped3A_15, %dma_wait3A, %dma_wait3A_58] : memref<32x2x40x128xi32, #tpu.memory_space<hbm>> -> memref<1x1x40x128xi32, #tpu.memory_space<hbm>>
      %dma_wait3A_60 = tpu.memref_squeeze %dma_wait3A_59 : memref<1x1x40x128xi32, #tpu.memory_space<hbm>> -> memref<40x128xi32, #tpu.memory_space<hbm>>
      %dma_wait3A_61 = arith.constant 0 : i32
      %dma_wait3A_62 = arith.constant 0 : i32
      %dma_wait3A_63 = tpu.memref_slice %arg4[%add3A, %run_scoped3A_15, %dma_wait3A_61, %dma_wait3A_62] : memref<32x2x40x128xi32, #tpu.memory_space<hbm>> -> memref<1x1x40x128xi32, #tpu.memory_space<hbm>>
      %dma_wait3A_64 = tpu.memref_squeeze %dma_wait3A_63 : memref<1x1x40x128xi32, #tpu.memory_space<hbm>> -> memref<40x128xi32, #tpu.memory_space<hbm>>
      tpu.wait_dma2 semaphore(%run_scoped3A_49 : memref<!tpu.dma_semaphore, #tpu.memory_space<semaphore_mem>>) src(%dma_wait3A_64 : memref<40x128xi32, #tpu.memory_space<hbm>>) dst(%arg8 : memref<40x128xi32, #tpu.memory_space<vmem>>)
      tpu.yield
    }) : () -> ()
    %dma_start3A = arith.constant 0 : i32
    %dma_start3A_16 = arith.constant 0 : i32
    %dma_start3A_17 = tpu.memref_slice %arg7[%dma_start3A, %dma_start3A_16] : memref<40x128xi32, #tpu.memory_space<vmem>> -> memref<1x128xi32, #tpu.memory_space<vmem>>
    %dma_start3A_18 = tpu.memref_squeeze %dma_start3A_17 : memref<1x128xi32, #tpu.memory_space<vmem>> -> memref<128xi32, #tpu.memory_space<vmem>>
    %dma_start3A_19 = arith.constant 0 : i32
    %dma_start3A_20 = arith.constant 0 : i32
    %dma_start3A_21 = tpu.memref_slice %arg2[%dma_start3A_19, %dma_start3A_20] : memref<10000x128xf32, #tpu.memory_space<hbm>> -> memref<10000x128xf32, #tpu.memory_space<hbm>>
    tpu.enqueue_indirect_dma source(%dma_start3A_21 : memref<10000x128xf32, #tpu.memory_space<hbm>>) target(%arg9 : memref<128x128xf32, #tpu.memory_space<vmem>>) offsets(%dma_start3A_18 : memref<128xi32, #tpu.memory_space<vmem>>) semaphore(%arg12 : memref<!tpu.dma_semaphore, #tpu.memory_space<semaphore_mem>>)
    %scan3A = arith.constant 0 : i32
    %scan3A_22 = arith.constant 0 : i32
    %scan3A_23 = arith.constant 20 : i32
    %scan3A_24 = arith.addi %scan3A_22, %scan3A_23 : i32
    %scan3A_25 = arith.constant 1 : i32
    scf.for %scan3A_49 = %scan3A_22 to %scan3A_24 step %scan3A_25  : i32 {
      %mul3A_50 = arith.constant 2 : i32
      %mul3A_51 = arith.muli %mul3A_50, %scan3A_49 : i32
      %add3A_52 = arith.constant 1 : i32
      %add3A_53 = arith.addi %mul3A_51, %add3A_52 : i32
      %dma_start3A_54 = arith.constant 0 : i32
      %dma_start3A_55 = tpu.memref_slice %arg7[%add3A_53, %dma_start3A_54] : memref<40x128xi32, #tpu.memory_space<vmem>> -> memref<1x128xi32, #tpu.memory_space<vmem>>
      %dma_start3A_56 = tpu.memref_squeeze %dma_start3A_55 : memref<1x128xi32, #tpu.memory_space<vmem>> -> memref<128xi32, #tpu.memory_space<vmem>>
      %dma_start3A_57 = arith.constant 0 : i32
      %dma_start3A_58 = arith.constant 0 : i32
      %dma_start3A_59 = tpu.memref_slice %arg2[%dma_start3A_57, %dma_start3A_58] : memref<10000x128xf32, #tpu.memory_space<hbm>> -> memref<10000x128xf32, #tpu.memory_space<hbm>>
      tpu.enqueue_indirect_dma source(%dma_start3A_59 : memref<10000x128xf32, #tpu.memory_space<hbm>>) target(%arg10 : memref<128x128xf32, #tpu.memory_space<vmem>>) offsets(%dma_start3A_56 : memref<128xi32, #tpu.memory_space<vmem>>) semaphore(%arg13 : memref<!tpu.dma_semaphore, #tpu.memory_space<semaphore_mem>>)
      %dma_wait3A = arith.constant 0 : i32
      %dma_wait3A_60 = tpu.memref_slice %arg7[%mul3A_51, %dma_wait3A] : memref<40x128xi32, #tpu.memory_space<vmem>> -> memref<1x128xi32, #tpu.memory_space<vmem>>
      %dma_wait3A_61 = tpu.memref_squeeze %dma_wait3A_60 : memref<1x128xi32, #tpu.memory_space<vmem>> -> memref<128xi32, #tpu.memory_space<vmem>>
      %dma_wait3A_62 = arith.constant 0 : i32
      %dma_wait3A_63 = arith.constant 0 : i32
      %dma_wait3A_64 = tpu.memref_slice %arg2[%dma_wait3A_62, %dma_wait3A_63] : memref<10000x128xf32, #tpu.memory_space<hbm>> -> memref<10000x128xf32, #tpu.memory_space<hbm>>
      tpu.wait_indirect_dma semaphore(%arg12 : memref<!tpu.dma_semaphore, #tpu.memory_space<semaphore_mem>>) src(%dma_wait3A_64 : memref<10000x128xf32, #tpu.memory_space<hbm>>) dst(%arg9 : memref<128x128xf32, #tpu.memory_space<vmem>>)
      "tpu.region"() ({
        %run_scoped3A_81 = tpu.sem_alloc : memref<!tpu.dma_semaphore, #tpu.memory_space<semaphore_mem>>
        %dma_start3A_82 = arith.constant 0 : i32
        %dma_start3A_83 = tpu.memref_slice %arg8[%mul3A_51, %dma_start3A_82] : memref<40x128xi32, #tpu.memory_space<vmem>> -> memref<1x128xi32, #tpu.memory_space<vmem>>
        %dma_start3A_84 = tpu.memref_squeeze %dma_start3A_83 : memref<1x128xi32, #tpu.memory_space<vmem>> -> memref<128xi32, #tpu.memory_space<vmem>>
        %dma_start3A_85 = arith.constant 0 : i32
        %dma_start3A_86 = arith.constant 0 : i32
        %dma_start3A_87 = tpu.memref_slice %arg11[%dma_start3A_85, %dma_start3A_86] : memref<10240x128xf32, #tpu.memory_space<vmem_shared>> -> memref<10240x128xf32, #tpu.memory_space<vmem_shared>>
        tpu.enqueue_indirect_dma source(%arg9 : memref<128x128xf32, #tpu.memory_space<vmem>>) target(%dma_start3A_87 : memref<10240x128xf32, #tpu.memory_space<vmem_shared>>) offsets(%dma_start3A_84 : memref<128xi32, #tpu.memory_space<vmem>>) semaphore(%run_scoped3A_81 : memref<!tpu.dma_semaphore, #tpu.memory_space<semaphore_mem>>) {add = true}
        %dma_wait3A_88 = arith.constant 0 : i32
        %dma_wait3A_89 = tpu.memref_slice %arg8[%mul3A_51, %dma_wait3A_88] : memref<40x128xi32, #tpu.memory_space<vmem>> -> memref<1x128xi32, #tpu.memory_space<vmem>>
        %dma_wait3A_90 = tpu.memref_squeeze %dma_wait3A_89 : memref<1x128xi32, #tpu.memory_space<vmem>> -> memref<128xi32, #tpu.memory_space<vmem>>
        %dma_wait3A_91 = arith.constant 0 : i32
        %dma_wait3A_92 = arith.constant 0 : i32
        %dma_wait3A_93 = tpu.memref_slice %arg11[%dma_wait3A_91, %dma_wait3A_92] : memref<10240x128xf32, #tpu.memory_space<vmem_shared>> -> memref<10240x128xf32, #tpu.memory_space<vmem_shared>>
        tpu.wait_indirect_dma semaphore(%run_scoped3A_81 : memref<!tpu.dma_semaphore, #tpu.memory_space<semaphore_mem>>) src(%arg9 : memref<128x128xf32, #tpu.memory_space<vmem>>) dst(%dma_wait3A_93 : memref<10240x128xf32, #tpu.memory_space<vmem_shared>>)
        tpu.yield
      }) : () -> ()
      %add3A_65 = arith.constant 2 : i32
      %add3A_66 = arith.addi %mul3A_51, %add3A_65 : i32
      %lt3A = arith.constant 40 : i32
      %lt3A_67 = arith.cmpi slt, %add3A_66, %lt3A : i32
      %convert_element_type3A_68 = arith.extui %lt3A_67 : i1 to i32
      %cond3A_69 = arith.constant 0 : i32
      %cond3A_70 = arith.cmpi ne, %convert_element_type3A_68, %cond3A_69 : i32
      scf.if %cond3A_70 {
        %add3A_81 = arith.constant 2 : i32
        %add3A_82 = arith.addi %mul3A_51, %add3A_81 : i32
        %dma_start3A_83 = arith.constant 0 : i32
        %dma_start3A_84 = tpu.memref_slice %arg7[%add3A_82, %dma_start3A_83] : memref<40x128xi32, #tpu.memory_space<vmem>> -> memref<1x128xi32, #tpu.memory_space<vmem>>
        %dma_start3A_85 = tpu.memref_squeeze %dma_start3A_84 : memref<1x128xi32, #tpu.memory_space<vmem>> -> memref<128xi32, #tpu.memory_space<vmem>>
        %dma_start3A_86 = arith.constant 0 : i32
        %dma_start3A_87 = arith.constant 0 : i32
        %dma_start3A_88 = tpu.memref_slice %arg2[%dma_start3A_86, %dma_start3A_87] : memref<10000x128xf32, #tpu.memory_space<hbm>> -> memref<10000x128xf32, #tpu.memory_space<hbm>>
        tpu.enqueue_indirect_dma source(%dma_start3A_88 : memref<10000x128xf32, #tpu.memory_space<hbm>>) target(%arg9 : memref<128x128xf32, #tpu.memory_space<vmem>>) offsets(%dma_start3A_85 : memref<128xi32, #tpu.memory_space<vmem>>) semaphore(%arg12 : memref<!tpu.dma_semaphore, #tpu.memory_space<semaphore_mem>>)
      } else {
      }
      %add3A_71 = arith.constant 1 : i32
      %add3A_72 = arith.addi %mul3A_51, %add3A_71 : i32
      %dma_wait3A_73 = arith.constant 0 : i32
      %dma_wait3A_74 = tpu.memref_slice %arg7[%add3A_72, %dma_wait3A_73] : memref<40x128xi32, #tpu.memory_space<vmem>> -> memref<1x128xi32, #tpu.memory_space<vmem>>
      %dma_wait3A_75 = tpu.memref_squeeze %dma_wait3A_74 : memref<1x128xi32, #tpu.memory_space<vmem>> -> memref<128xi32, #tpu.memory_space<vmem>>
      %dma_wait3A_76 = arith.constant 0 : i32
      %dma_wait3A_77 = arith.constant 0 : i32
      %dma_wait3A_78 = tpu.memref_slice %arg2[%dma_wait3A_76, %dma_wait3A_77] : memref<10000x128xf32, #tpu.memory_space<hbm>> -> memref<10000x128xf32, #tpu.memory_space<hbm>>
      tpu.wait_indirect_dma semaphore(%arg13 : memref<!tpu.dma_semaphore, #tpu.memory_space<semaphore_mem>>) src(%dma_wait3A_78 : memref<10000x128xf32, #tpu.memory_space<hbm>>) dst(%arg10 : memref<128x128xf32, #tpu.memory_space<vmem>>)
      %add3A_79 = arith.constant 1 : i32
      %add3A_80 = arith.addi %mul3A_51, %add3A_79 : i32
      "tpu.region"() ({
        %run_scoped3A_81 = tpu.sem_alloc : memref<!tpu.dma_semaphore, #tpu.memory_space<semaphore_mem>>
        %dma_start3A_82 = arith.constant 0 : i32
        %dma_start3A_83 = tpu.memref_slice %arg8[%add3A_80, %dma_start3A_82] : memref<40x128xi32, #tpu.memory_space<vmem>> -> memref<1x128xi32, #tpu.memory_space<vmem>>
        %dma_start3A_84 = tpu.memref_squeeze %dma_start3A_83 : memref<1x128xi32, #tpu.memory_space<vmem>> -> memref<128xi32, #tpu.memory_space<vmem>>
        %dma_start3A_85 = arith.constant 0 : i32
        %dma_start3A_86 = arith.constant 0 : i32
        %dma_start3A_87 = tpu.memref_slice %arg11[%dma_start3A_85, %dma_start3A_86] : memref<10240x128xf32, #tpu.memory_space<vmem_shared>> -> memref<10240x128xf32, #tpu.memory_space<vmem_shared>>
        tpu.enqueue_indirect_dma source(%arg10 : memref<128x128xf32, #tpu.memory_space<vmem>>) target(%dma_start3A_87 : memref<10240x128xf32, #tpu.memory_space<vmem_shared>>) offsets(%dma_start3A_84 : memref<128xi32, #tpu.memory_space<vmem>>) semaphore(%run_scoped3A_81 : memref<!tpu.dma_semaphore, #tpu.memory_space<semaphore_mem>>) {add = true}
        %dma_wait3A_88 = arith.constant 0 : i32
        %dma_wait3A_89 = tpu.memref_slice %arg8[%add3A_80, %dma_wait3A_88] : memref<40x128xi32, #tpu.memory_space<vmem>> -> memref<1x128xi32, #tpu.memory_space<vmem>>
        %dma_wait3A_90 = tpu.memref_squeeze %dma_wait3A_89 : memref<1x128xi32, #tpu.memory_space<vmem>> -> memref<128xi32, #tpu.memory_space<vmem>>
        %dma_wait3A_91 = arith.constant 0 : i32
        %dma_wait3A_92 = arith.constant 0 : i32
        %dma_wait3A_93 = tpu.memref_slice %arg11[%dma_wait3A_91, %dma_wait3A_92] : memref<10240x128xf32, #tpu.memory_space<vmem_shared>> -> memref<10240x128xf32, #tpu.memory_space<vmem_shared>>
        tpu.wait_indirect_dma semaphore(%run_scoped3A_81 : memref<!tpu.dma_semaphore, #tpu.memory_space<semaphore_mem>>) src(%arg10 : memref<128x128xf32, #tpu.memory_space<vmem>>) dst(%dma_wait3A_93 : memref<10240x128xf32, #tpu.memory_space<vmem_shared>>)
        tpu.yield
      }) : () -> ()
    }
    %scan3A_26 = arith.constant 20 : i32
    %run_scoped3A_27 = arith.constant 1 : i32
    "tpu.region"() ({
      %run_scoped3A_49 = tpu.sem_alloc : memref<!tpu.dma_semaphore, #tpu.memory_space<semaphore_mem>>
      %dma_start3A_50 = arith.constant 0 : i32
      %dma_start3A_51 = arith.constant 0 : i32
      %dma_start3A_52 = tpu.memref_slice %arg3[%add3A, %run_scoped3A_27, %dma_start3A_50, %dma_start3A_51] : memref<32x2x40x128xi32, #tpu.memory_space<hbm>> -> memref<1x1x40x128xi32, #tpu.memory_space<hbm>>
      %dma_start3A_53 = tpu.memref_squeeze %dma_start3A_52 : memref<1x1x40x128xi32, #tpu.memory_space<hbm>> -> memref<40x128xi32, #tpu.memory_space<hbm>>
      %dma_start3A_54 = arith.constant 0 : i32
      %dma_start3A_55 = arith.constant 0 : i32
      %dma_start3A_56 = tpu.memref_slice %arg3[%add3A, %run_scoped3A_27, %dma_start3A_54, %dma_start3A_55] : memref<32x2x40x128xi32, #tpu.memory_space<hbm>> -> memref<1x1x40x128xi32, #tpu.memory_space<hbm>>
      %dma_start3A_57 = tpu.memref_squeeze %dma_start3A_56 : memref<1x1x40x128xi32, #tpu.memory_space<hbm>> -> memref<40x128xi32, #tpu.memory_space<hbm>>
      tpu.enqueue_dma source(%dma_start3A_57 : memref<40x128xi32, #tpu.memory_space<hbm>>) target(%arg7 : memref<40x128xi32, #tpu.memory_space<vmem>>) target_semaphore(%run_scoped3A_49 : memref<!tpu.dma_semaphore, #tpu.memory_space<semaphore_mem>>)
      %dma_wait3A = arith.constant 0 : i32
      %dma_wait3A_58 = arith.constant 0 : i32
      %dma_wait3A_59 = tpu.memref_slice %arg3[%add3A, %run_scoped3A_27, %dma_wait3A, %dma_wait3A_58] : memref<32x2x40x128xi32, #tpu.memory_space<hbm>> -> memref<1x1x40x128xi32, #tpu.memory_space<hbm>>
      %dma_wait3A_60 = tpu.memref_squeeze %dma_wait3A_59 : memref<1x1x40x128xi32, #tpu.memory_space<hbm>> -> memref<40x128xi32, #tpu.memory_space<hbm>>
      %dma_wait3A_61 = arith.constant 0 : i32
      %dma_wait3A_62 = arith.constant 0 : i32
      %dma_wait3A_63 = tpu.memref_slice %arg3[%add3A, %run_scoped3A_27, %dma_wait3A_61, %dma_wait3A_62] : memref<32x2x40x128xi32, #tpu.memory_space<hbm>> -> memref<1x1x40x128xi32, #tpu.memory_space<hbm>>
      %dma_wait3A_64 = tpu.memref_squeeze %dma_wait3A_63 : memref<1x1x40x128xi32, #tpu.memory_space<hbm>> -> memref<40x128xi32, #tpu.memory_space<hbm>>
      tpu.wait_dma2 semaphore(%run_scoped3A_49 : memref<!tpu.dma_semaphore, #tpu.memory_space<semaphore_mem>>) src(%dma_wait3A_64 : memref<40x128xi32, #tpu.memory_space<hbm>>) dst(%arg7 : memref<40x128xi32, #tpu.memory_space<vmem>>)
      tpu.yield
    }) : () -> ()
    %run_scoped3A_28 = arith.constant 1 : i32
    "tpu.region"() ({
      %run_scoped3A_49 = tpu.sem_alloc : memref<!tpu.dma_semaphore, #tpu.memory_space<semaphore_mem>>
      %dma_start3A_50 = arith.constant 0 : i32
      %dma_start3A_51 = arith.constant 0 : i32
      %dma_start3A_52 = tpu.memref_slice %arg4[%add3A, %run_scoped3A_28, %dma_start3A_50, %dma_start3A_51] : memref<32x2x40x128xi32, #tpu.memory_space<hbm>> -> memref<1x1x40x128xi32, #tpu.memory_space<hbm>>
      %dma_start3A_53 = tpu.memref_squeeze %dma_start3A_52 : memref<1x1x40x128xi32, #tpu.memory_space<hbm>> -> memref<40x128xi32, #tpu.memory_space<hbm>>
      %dma_start3A_54 = arith.constant 0 : i32
      %dma_start3A_55 = arith.constant 0 : i32
      %dma_start3A_56 = tpu.memref_slice %arg4[%add3A, %run_scoped3A_28, %dma_start3A_54, %dma_start3A_55] : memref<32x2x40x128xi32, #tpu.memory_space<hbm>> -> memref<1x1x40x128xi32, #tpu.memory_space<hbm>>
      %dma_start3A_57 = tpu.memref_squeeze %dma_start3A_56 : memref<1x1x40x128xi32, #tpu.memory_space<hbm>> -> memref<40x128xi32, #tpu.memory_space<hbm>>
      tpu.enqueue_dma source(%dma_start3A_57 : memref<40x128xi32, #tpu.memory_space<hbm>>) target(%arg8 : memref<40x128xi32, #tpu.memory_space<vmem>>) target_semaphore(%run_scoped3A_49 : memref<!tpu.dma_semaphore, #tpu.memory_space<semaphore_mem>>)
      %dma_wait3A = arith.constant 0 : i32
      %dma_wait3A_58 = arith.constant 0 : i32
      %dma_wait3A_59 = tpu.memref_slice %arg4[%add3A, %run_scoped3A_28, %dma_wait3A, %dma_wait3A_58] : memref<32x2x40x128xi32, #tpu.memory_space<hbm>> -> memref<1x1x40x128xi32, #tpu.memory_space<hbm>>
      %dma_wait3A_60 = tpu.memref_squeeze %dma_wait3A_59 : memref<1x1x40x128xi32, #tpu.memory_space<hbm>> -> memref<40x128xi32, #tpu.memory_space<hbm>>
      %dma_wait3A_61 = arith.constant 0 : i32
      %dma_wait3A_62 = arith.constant 0 : i32
      %dma_wait3A_63 = tpu.memref_slice %arg4[%add3A, %run_scoped3A_28, %dma_wait3A_61, %dma_wait3A_62] : memref<32x2x40x128xi32, #tpu.memory_space<hbm>> -> memref<1x1x40x128xi32, #tpu.memory_space<hbm>>
      %dma_wait3A_64 = tpu.memref_squeeze %dma_wait3A_63 : memref<1x1x40x128xi32, #tpu.memory_space<hbm>> -> memref<40x128xi32, #tpu.memory_space<hbm>>
      tpu.wait_dma2 semaphore(%run_scoped3A_49 : memref<!tpu.dma_semaphore, #tpu.memory_space<semaphore_mem>>) src(%dma_wait3A_64 : memref<40x128xi32, #tpu.memory_space<hbm>>) dst(%arg8 : memref<40x128xi32, #tpu.memory_space<vmem>>)
      tpu.yield
    }) : () -> ()
    %dma_start3A_29 = arith.constant 0 : i32
    %dma_start3A_30 = arith.constant 0 : i32
    %dma_start3A_31 = tpu.memref_slice %arg7[%dma_start3A_29, %dma_start3A_30] : memref<40x128xi32, #tpu.memory_space<vmem>> -> memref<1x128xi32, #tpu.memory_space<vmem>>
    %dma_start3A_32 = tpu.memref_squeeze %dma_start3A_31 : memref<1x128xi32, #tpu.memory_space<vmem>> -> memref<128xi32, #tpu.memory_space<vmem>>
    %dma_start3A_33 = arith.constant 0 : i32
    %dma_start3A_34 = arith.constant 0 : i32
    %dma_start3A_35 = tpu.memref_slice %arg2[%dma_start3A_33, %dma_start3A_34] : memref<10000x128xf32, #tpu.memory_space<hbm>> -> memref<10000x128xf32, #tpu.memory_space<hbm>>
    tpu.enqueue_indirect_dma source(%dma_start3A_35 : memref<10000x128xf32, #tpu.memory_space<hbm>>) target(%arg9 : memref<128x128xf32, #tpu.memory_space<vmem>>) offsets(%dma_start3A_32 : memref<128xi32, #tpu.memory_space<vmem>>) semaphore(%arg12 : memref<!tpu.dma_semaphore, #tpu.memory_space<semaphore_mem>>)
    %scan3A_36 = arith.constant 0 : i32
    %scan3A_37 = arith.constant 0 : i32
    %scan3A_38 = arith.constant 20 : i32
    %scan3A_39 = arith.addi %scan3A_37, %scan3A_38 : i32
    %scan3A_40 = arith.constant 1 : i32
    scf.for %scan3A_49 = %scan3A_37 to %scan3A_39 step %scan3A_40  : i32 {
      %mul3A_50 = arith.constant 2 : i32
      %mul3A_51 = arith.muli %mul3A_50, %scan3A_49 : i32
      %add3A_52 = arith.constant 1 : i32
      %add3A_53 = arith.addi %mul3A_51, %add3A_52 : i32
      %dma_start3A_54 = arith.constant 0 : i32
      %dma_start3A_55 = tpu.memref_slice %arg7[%add3A_53, %dma_start3A_54] : memref<40x128xi32, #tpu.memory_space<vmem>> -> memref<1x128xi32, #tpu.memory_space<vmem>>
      %dma_start3A_56 = tpu.memref_squeeze %dma_start3A_55 : memref<1x128xi32, #tpu.memory_space<vmem>> -> memref<128xi32, #tpu.memory_space<vmem>>
      %dma_start3A_57 = arith.constant 0 : i32
      %dma_start3A_58 = arith.constant 0 : i32
      %dma_start3A_59 = tpu.memref_slice %arg2[%dma_start3A_57, %dma_start3A_58] : memref<10000x128xf32, #tpu.memory_space<hbm>> -> memref<10000x128xf32, #tpu.memory_space<hbm>>
      tpu.enqueue_indirect_dma source(%dma_start3A_59 : memref<10000x128xf32, #tpu.memory_space<hbm>>) target(%arg10 : memref<128x128xf32, #tpu.memory_space<vmem>>) offsets(%dma_start3A_56 : memref<128xi32, #tpu.memory_space<vmem>>) semaphore(%arg13 : memref<!tpu.dma_semaphore, #tpu.memory_space<semaphore_mem>>)
      %dma_wait3A = arith.constant 0 : i32
      %dma_wait3A_60 = tpu.memref_slice %arg7[%mul3A_51, %dma_wait3A] : memref<40x128xi32, #tpu.memory_space<vmem>> -> memref<1x128xi32, #tpu.memory_space<vmem>>
      %dma_wait3A_61 = tpu.memref_squeeze %dma_wait3A_60 : memref<1x128xi32, #tpu.memory_space<vmem>> -> memref<128xi32, #tpu.memory_space<vmem>>
      %dma_wait3A_62 = arith.constant 0 : i32
      %dma_wait3A_63 = arith.constant 0 : i32
      %dma_wait3A_64 = tpu.memref_slice %arg2[%dma_wait3A_62, %dma_wait3A_63] : memref<10000x128xf32, #tpu.memory_space<hbm>> -> memref<10000x128xf32, #tpu.memory_space<hbm>>
      tpu.wait_indirect_dma semaphore(%arg12 : memref<!tpu.dma_semaphore, #tpu.memory_space<semaphore_mem>>) src(%dma_wait3A_64 : memref<10000x128xf32, #tpu.memory_space<hbm>>) dst(%arg9 : memref<128x128xf32, #tpu.memory_space<vmem>>)
      "tpu.region"() ({
        %run_scoped3A_81 = tpu.sem_alloc : memref<!tpu.dma_semaphore, #tpu.memory_space<semaphore_mem>>
        %dma_start3A_82 = arith.constant 0 : i32
        %dma_start3A_83 = tpu.memref_slice %arg8[%mul3A_51, %dma_start3A_82] : memref<40x128xi32, #tpu.memory_space<vmem>> -> memref<1x128xi32, #tpu.memory_space<vmem>>
        %dma_start3A_84 = tpu.memref_squeeze %dma_start3A_83 : memref<1x128xi32, #tpu.memory_space<vmem>> -> memref<128xi32, #tpu.memory_space<vmem>>
        %dma_start3A_85 = arith.constant 0 : i32
        %dma_start3A_86 = arith.constant 0 : i32
        %dma_start3A_87 = tpu.memref_slice %arg11[%dma_start3A_85, %dma_start3A_86] : memref<10240x128xf32, #tpu.memory_space<vmem_shared>> -> memref<10240x128xf32, #tpu.memory_space<vmem_shared>>
        tpu.enqueue_indirect_dma source(%arg9 : memref<128x128xf32, #tpu.memory_space<vmem>>) target(%dma_start3A_87 : memref<10240x128xf32, #tpu.memory_space<vmem_shared>>) offsets(%dma_start3A_84 : memref<128xi32, #tpu.memory_space<vmem>>) semaphore(%run_scoped3A_81 : memref<!tpu.dma_semaphore, #tpu.memory_space<semaphore_mem>>) {add = true}
        %dma_wait3A_88 = arith.constant 0 : i32
        %dma_wait3A_89 = tpu.memref_slice %arg8[%mul3A_51, %dma_wait3A_88] : memref<40x128xi32, #tpu.memory_space<vmem>> -> memref<1x128xi32, #tpu.memory_space<vmem>>
        %dma_wait3A_90 = tpu.memref_squeeze %dma_wait3A_89 : memref<1x128xi32, #tpu.memory_space<vmem>> -> memref<128xi32, #tpu.memory_space<vmem>>
        %dma_wait3A_91 = arith.constant 0 : i32
        %dma_wait3A_92 = arith.constant 0 : i32
        %dma_wait3A_93 = tpu.memref_slice %arg11[%dma_wait3A_91, %dma_wait3A_92] : memref<10240x128xf32, #tpu.memory_space<vmem_shared>> -> memref<10240x128xf32, #tpu.memory_space<vmem_shared>>
        tpu.wait_indirect_dma semaphore(%run_scoped3A_81 : memref<!tpu.dma_semaphore, #tpu.memory_space<semaphore_mem>>) src(%arg9 : memref<128x128xf32, #tpu.memory_space<vmem>>) dst(%dma_wait3A_93 : memref<10240x128xf32, #tpu.memory_space<vmem_shared>>)
        tpu.yield
      }) : () -> ()
      %add3A_65 = arith.constant 2 : i32
      %add3A_66 = arith.addi %mul3A_51, %add3A_65 : i32
      %lt3A = arith.constant 40 : i32
      %lt3A_67 = arith.cmpi slt, %add3A_66, %lt3A : i32
      %convert_element_type3A_68 = arith.extui %lt3A_67 : i1 to i32
      %cond3A_69 = arith.constant 0 : i32
      %cond3A_70 = arith.cmpi ne, %convert_element_type3A_68, %cond3A_69 : i32
      scf.if %cond3A_70 {
        %add3A_81 = arith.constant 2 : i32
        %add3A_82 = arith.addi %mul3A_51, %add3A_81 : i32
        %dma_start3A_83 = arith.constant 0 : i32
        %dma_start3A_84 = tpu.memref_slice %arg7[%add3A_82, %dma_start3A_83] : memref<40x128xi32, #tpu.memory_space<vmem>> -> memref<1x128xi32, #tpu.memory_space<vmem>>
        %dma_start3A_85 = tpu.memref_squeeze %dma_start3A_84 : memref<1x128xi32, #tpu.memory_space<vmem>> -> memref<128xi32, #tpu.memory_space<vmem>>
        %dma_start3A_86 = arith.constant 0 : i32
        %dma_start3A_87 = arith.constant 0 : i32
        %dma_start3A_88 = tpu.memref_slice %arg2[%dma_start3A_86, %dma_start3A_87] : memref<10000x128xf32, #tpu.memory_space<hbm>> -> memref<10000x128xf32, #tpu.memory_space<hbm>>
        tpu.enqueue_indirect_dma source(%dma_start3A_88 : memref<10000x128xf32, #tpu.memory_space<hbm>>) target(%arg9 : memref<128x128xf32, #tpu.memory_space<vmem>>) offsets(%dma_start3A_85 : memref<128xi32, #tpu.memory_space<vmem>>) semaphore(%arg12 : memref<!tpu.dma_semaphore, #tpu.memory_space<semaphore_mem>>)
      } else {
      }
      %add3A_71 = arith.constant 1 : i32
      %add3A_72 = arith.addi %mul3A_51, %add3A_71 : i32
      %dma_wait3A_73 = arith.constant 0 : i32
      %dma_wait3A_74 = tpu.memref_slice %arg7[%add3A_72, %dma_wait3A_73] : memref<40x128xi32, #tpu.memory_space<vmem>> -> memref<1x128xi32, #tpu.memory_space<vmem>>
      %dma_wait3A_75 = tpu.memref_squeeze %dma_wait3A_74 : memref<1x128xi32, #tpu.memory_space<vmem>> -> memref<128xi32, #tpu.memory_space<vmem>>
      %dma_wait3A_76 = arith.constant 0 : i32
      %dma_wait3A_77 = arith.constant 0 : i32
      %dma_wait3A_78 = tpu.memref_slice %arg2[%dma_wait3A_76, %dma_wait3A_77] : memref<10000x128xf32, #tpu.memory_space<hbm>> -> memref<10000x128xf32, #tpu.memory_space<hbm>>
      tpu.wait_indirect_dma semaphore(%arg13 : memref<!tpu.dma_semaphore, #tpu.memory_space<semaphore_mem>>) src(%dma_wait3A_78 : memref<10000x128xf32, #tpu.memory_space<hbm>>) dst(%arg10 : memref<128x128xf32, #tpu.memory_space<vmem>>)
      %add3A_79 = arith.constant 1 : i32
      %add3A_80 = arith.addi %mul3A_51, %add3A_79 : i32
      "tpu.region"() ({
        %run_scoped3A_81 = tpu.sem_alloc : memref<!tpu.dma_semaphore, #tpu.memory_space<semaphore_mem>>
        %dma_start3A_82 = arith.constant 0 : i32
        %dma_start3A_83 = tpu.memref_slice %arg8[%add3A_80, %dma_start3A_82] : memref<40x128xi32, #tpu.memory_space<vmem>> -> memref<1x128xi32, #tpu.memory_space<vmem>>
        %dma_start3A_84 = tpu.memref_squeeze %dma_start3A_83 : memref<1x128xi32, #tpu.memory_space<vmem>> -> memref<128xi32, #tpu.memory_space<vmem>>
        %dma_start3A_85 = arith.constant 0 : i32
        %dma_start3A_86 = arith.constant 0 : i32
        %dma_start3A_87 = tpu.memref_slice %arg11[%dma_start3A_85, %dma_start3A_86] : memref<10240x128xf32, #tpu.memory_space<vmem_shared>> -> memref<10240x128xf32, #tpu.memory_space<vmem_shared>>
        tpu.enqueue_indirect_dma source(%arg10 : memref<128x128xf32, #tpu.memory_space<vmem>>) target(%dma_start3A_87 : memref<10240x128xf32, #tpu.memory_space<vmem_shared>>) offsets(%dma_start3A_84 : memref<128xi32, #tpu.memory_space<vmem>>) semaphore(%run_scoped3A_81 : memref<!tpu.dma_semaphore, #tpu.memory_space<semaphore_mem>>) {add = true}
        %dma_wait3A_88 = arith.constant 0 : i32
        %dma_wait3A_89 = tpu.memref_slice %arg8[%add3A_80, %dma_wait3A_88] : memref<40x128xi32, #tpu.memory_space<vmem>> -> memref<1x128xi32, #tpu.memory_space<vmem>>
        %dma_wait3A_90 = tpu.memref_squeeze %dma_wait3A_89 : memref<1x128xi32, #tpu.memory_space<vmem>> -> memref<128xi32, #tpu.memory_space<vmem>>
        %dma_wait3A_91 = arith.constant 0 : i32
        %dma_wait3A_92 = arith.constant 0 : i32
        %dma_wait3A_93 = tpu.memref_slice %arg11[%dma_wait3A_91, %dma_wait3A_92] : memref<10240x128xf32, #tpu.memory_space<vmem_shared>> -> memref<10240x128xf32, #tpu.memory_space<vmem_shared>>
        tpu.wait_indirect_dma semaphore(%run_scoped3A_81 : memref<!tpu.dma_semaphore, #tpu.memory_space<semaphore_mem>>) src(%arg10 : memref<128x128xf32, #tpu.memory_space<vmem>>) dst(%dma_wait3A_93 : memref<10240x128xf32, #tpu.memory_space<vmem_shared>>)
        tpu.yield
      }) : () -> ()
    }
    %scan3A_41 = arith.constant 20 : i32
    %barrier3A_42 = arith.constant 0 : index
    tpu.barrier barrier_id(%barrier3A_42)
    %scan3A_43 = arith.constant 0 : i32
    %scan3A_44 = arith.constant 0 : i32
    %scan3A_45 = arith.constant 5 : i32
    %scan3A_46 = arith.addi %scan3A_44, %scan3A_45 : i32
    %scan3A_47 = arith.constant 1 : i32
    scf.for %scan3A_49 = %scan3A_44 to %scan3A_46 step %scan3A_47  : i32 {
      %mul3A_50 = arith.constant 640 : i32
      %mul3A_51 = arith.muli %arg1, %mul3A_50 : i32
      %mul3A_52 = arith.constant 128 : i32
      %mul3A_53 = arith.muli %scan3A_49, %mul3A_52 : i32
      %add3A_54 = arith.addi %mul3A_51, %mul3A_53 : i32
      "tpu.region"() ({
        %run_scoped3A_55 = tpu.sem_alloc : memref<!tpu.dma_semaphore, #tpu.memory_space<semaphore_mem>>
        %dma_start3A_56 = arith.constant 0 : i32
        %dma_start3A_57 = tpu.memref_slice %arg11[%add3A_54, %dma_start3A_56] : memref<10240x128xf32, #tpu.memory_space<vmem_shared>> -> memref<128x128xf32, #tpu.memory_space<vmem_shared>>
        %dma_start3A_58 = arith.constant 0 : i32
        %dma_start3A_59 = tpu.memref_slice %arg11[%add3A_54, %dma_start3A_58] : memref<10240x128xf32, #tpu.memory_space<vmem_shared>> -> memref<128x128xf32, #tpu.memory_space<vmem_shared>>
        tpu.enqueue_dma source(%dma_start3A_59 : memref<128x128xf32, #tpu.memory_space<vmem_shared>>) target(%arg9 : memref<128x128xf32, #tpu.memory_space<vmem>>) target_semaphore(%run_scoped3A_55 : memref<!tpu.dma_semaphore, #tpu.memory_space<semaphore_mem>>)
        %dma_wait3A = arith.constant 0 : i32
        %dma_wait3A_60 = tpu.memref_slice %arg11[%add3A_54, %dma_wait3A] : memref<10240x128xf32, #tpu.memory_space<vmem_shared>> -> memref<128x128xf32, #tpu.memory_space<vmem_shared>>
        %dma_wait3A_61 = arith.constant 0 : i32
        %dma_wait3A_62 = tpu.memref_slice %arg11[%add3A_54, %dma_wait3A_61] : memref<10240x128xf32, #tpu.memory_space<vmem_shared>> -> memref<128x128xf32, #tpu.memory_space<vmem_shared>>
        tpu.wait_dma2 semaphore(%run_scoped3A_55 : memref<!tpu.dma_semaphore, #tpu.memory_space<semaphore_mem>>) src(%dma_wait3A_62 : memref<128x128xf32, #tpu.memory_space<vmem_shared>>) dst(%arg9 : memref<128x128xf32, #tpu.memory_space<vmem>>)
        tpu.yield
      }) : () -> ()
      "tpu.region"() ({
        %run_scoped3A_55 = tpu.sem_alloc : memref<!tpu.dma_semaphore, #tpu.memory_space<semaphore_mem>>
        %dma_start3A_56 = arith.constant 0 : i32
        %dma_start3A_57 = tpu.memref_slice %arg6[%arg0, %add3A_54, %dma_start3A_56] : memref<2x10240x128xf32, #tpu.memory_space<hbm>> -> memref<1x128x128xf32, #tpu.memory_space<hbm>>
        %dma_start3A_58 = tpu.memref_squeeze %dma_start3A_57 : memref<1x128x128xf32, #tpu.memory_space<hbm>> -> memref<128x128xf32, #tpu.memory_space<hbm>>
        %dma_start3A_59 = arith.constant 0 : i32
        %dma_start3A_60 = tpu.memref_slice %arg6[%arg0, %add3A_54, %dma_start3A_59] : memref<2x10240x128xf32, #tpu.memory_space<hbm>> -> memref<1x128x128xf32, #tpu.memory_space<hbm>>
        %dma_start3A_61 = tpu.memref_squeeze %dma_start3A_60 : memref<1x128x128xf32, #tpu.memory_space<hbm>> -> memref<128x128xf32, #tpu.memory_space<hbm>>
        tpu.enqueue_dma source(%arg9 : memref<128x128xf32, #tpu.memory_space<vmem>>) target(%dma_start3A_61 : memref<128x128xf32, #tpu.memory_space<hbm>>) target_semaphore(%run_scoped3A_55 : memref<!tpu.dma_semaphore, #tpu.memory_space<semaphore_mem>>)
        %dma_wait3A = arith.constant 0 : i32
        %dma_wait3A_62 = tpu.memref_slice %arg6[%arg0, %add3A_54, %dma_wait3A] : memref<2x10240x128xf32, #tpu.memory_space<hbm>> -> memref<1x128x128xf32, #tpu.memory_space<hbm>>
        %dma_wait3A_63 = tpu.memref_squeeze %dma_wait3A_62 : memref<1x128x128xf32, #tpu.memory_space<hbm>> -> memref<128x128xf32, #tpu.memory_space<hbm>>
        %dma_wait3A_64 = arith.constant 0 : i32
        %dma_wait3A_65 = tpu.memref_slice %arg6[%arg0, %add3A_54, %dma_wait3A_64] : memref<2x10240x128xf32, #tpu.memory_space<hbm>> -> memref<1x128x128xf32, #tpu.memory_space<hbm>>
        %dma_wait3A_66 = tpu.memref_squeeze %dma_wait3A_65 : memref<1x128x128xf32, #tpu.memory_space<hbm>> -> memref<128x128xf32, #tpu.memory_space<hbm>>
        tpu.wait_dma2 semaphore(%run_scoped3A_55 : memref<!tpu.dma_semaphore, #tpu.memory_space<semaphore_mem>>) src(%arg9 : memref<128x128xf32, #tpu.memory_space<vmem>>) dst(%dma_wait3A_66 : memref<128x128xf32, #tpu.memory_space<hbm>>)
        tpu.yield
      }) : () -> ()
    }
    %scan3A_48 = arith.constant 5 : i32
    return
  }
}

#map = affine_map<(d0, d1) -> (0, 0)>
#map1 = affine_map<(d0, d1) -> (0, 0, 0, 0)>
#map2 = affine_map<(d0, d1) -> (0, 0, 0)>
module attributes {stable_mosaic.version = 14 : i64} {
  func.func @_seg_sum_body(%arg0: i32, %arg1: i32, %arg2: memref<10000x128xf32, #tpu.memory_space<hbm>>, %arg3: memref<32x2x40x128xi32, #tpu.memory_space<hbm>>, %arg4: memref<32x2x40x128xi32, #tpu.memory_space<hbm>>, %arg5: memref<10240x128xf32, #tpu.memory_space<hbm>>, %arg6: memref<2x10240x128xf32, #tpu.memory_space<hbm>>, %arg7: memref<40x128xi32, #tpu.memory_space<vmem>>, %arg8: memref<40x128xi32, #tpu.memory_space<vmem>>, %arg9: memref<128x128xf32, #tpu.memory_space<vmem>>, %arg10: memref<128x128xf32, #tpu.memory_space<vmem>>, %arg11: memref<10240x128xf32, #tpu.memory_space<vmem_shared>>, %arg12: memref<!tpu.dma_semaphore, #tpu.memory_space<semaphore_mem>>, %arg13: memref<!tpu.dma_semaphore, #tpu.memory_space<semaphore_mem>>) attributes {dimension_semantics = [#tpu.dimension_semantics<core_parallel>, #tpu.dimension_semantics<subcore_parallel>], iteration_bounds = array<i64: 2, 16>, scalar_prefetch = 0 : i64, scratch_operands = 7 : i64, tpu.core_type = #tpu.core_type<sc_vector_subcore>, window_params = [{transform_indices = #map}, {transform_indices = #map1}, {transform_indices = #map1}, {transform_indices = #map}, {transform_indices = #map2}]} {
    %mul3A = arith.constant 2 : i32
    %mul3A_0 = arith.muli %arg1, %mul3A : i32
    %add3A = arith.addi %mul3A_0, %arg0 : i32
    %eq3A = arith.constant 0 : i32
    %eq3A_1 = arith.cmpi eq, %arg0, %eq3A : i32
    %convert_element_type3A = arith.extui %eq3A_1 : i1 to i32
    %cond3A = arith.constant 0 : i32
    %cond3A_2 = arith.cmpi ne, %convert_element_type3A, %cond3A : i32
    scf.if %cond3A_2 {
      %mul3A_49 = arith.constant 624 : i32
      %mul3A_50 = arith.muli %arg1, %mul3A_49 : i32
      %mul3A_51 = arith.constant 624 : i32
      %mul3A_52 = arith.muli %arg1, %mul3A_51 : i32
      "tpu.region"() ({
        %run_scoped3A_53 = tpu.sem_alloc : memref<!tpu.dma_semaphore, #tpu.memory_space<semaphore_mem>>
        %dma_start3A_54 = arith.constant 0 : i32
        %dma_start3A_55 = tpu.memref_slice %arg11[%mul3A_52, %dma_start3A_54] : memref<10240x128xf32, #tpu.memory_space<vmem_shared>> -> memref<624x128xf32, #tpu.memory_space<vmem_shared>>
        %dma_start3A_56 = arith.constant 0 : i32
        %dma_start3A_57 = tpu.memref_slice %arg2[%mul3A_50, %dma_start3A_56] : memref<10000x128xf32, #tpu.memory_space<hbm>> -> memref<624x128xf32, #tpu.memory_space<hbm>>
        tpu.enqueue_dma source(%dma_start3A_57 : memref<624x128xf32, #tpu.memory_space<hbm>>) target(%dma_start3A_55 : memref<624x128xf32, #tpu.memory_space<vmem_shared>>) target_semaphore(%run_scoped3A_53 : memref<!tpu.dma_semaphore, #tpu.memory_space<semaphore_mem>>)
        %dma_wait3A = arith.constant 0 : i32
        %dma_wait3A_58 = tpu.memref_slice %arg11[%mul3A_52, %dma_wait3A] : memref<10240x128xf32, #tpu.memory_space<vmem_shared>> -> memref<624x128xf32, #tpu.memory_space<vmem_shared>>
        %dma_wait3A_59 = arith.constant 0 : i32
        %dma_wait3A_60 = tpu.memref_slice %arg2[%mul3A_50, %dma_wait3A_59] : memref<10000x128xf32, #tpu.memory_space<hbm>> -> memref<624x128xf32, #tpu.memory_space<hbm>>
        tpu.wait_dma2 semaphore(%run_scoped3A_53 : memref<!tpu.dma_semaphore, #tpu.memory_space<semaphore_mem>>) src(%dma_wait3A_60 : memref<624x128xf32, #tpu.memory_space<hbm>>) dst(%dma_wait3A_58 : memref<624x128xf32, #tpu.memory_space<vmem_shared>>)
        tpu.yield
      }) : () -> ()
    } else {
    }
    %eq3A_3 = arith.constant 0 : i32
    %eq3A_4 = arith.cmpi eq, %arg0, %eq3A_3 : i32
    %eq3A_5 = arith.constant 15 : i32
    %eq3A_6 = arith.cmpi eq, %arg1, %eq3A_5 : i32
    %and3A = arith.andi %eq3A_4, %eq3A_6 : i1
    %convert_element_type3A_7 = arith.extui %and3A : i1 to i32
    %cond3A_8 = arith.constant 0 : i32
    %cond3A_9 = arith.cmpi ne, %convert_element_type3A_7, %cond3A_8 : i32
    scf.if %cond3A_9 {
      "tpu.region"() ({
        %run_scoped3A_49 = tpu.sem_alloc : memref<!tpu.dma_semaphore, #tpu.memory_space<semaphore_mem>>
        %dma_start3A_50 = arith.constant 9984 : i32
        %dma_start3A_51 = arith.constant 0 : i32
        %dma_start3A_52 = tpu.memref_slice %arg11[%dma_start3A_50, %dma_start3A_51] : memref<10240x128xf32, #tpu.memory_space<vmem_shared>> -> memref<16x128xf32, #tpu.memory_space<vmem_shared>>
        %dma_start3A_53 = arith.constant 9984 : i32
        %dma_start3A_54 = arith.constant 0 : i32
        %dma_start3A_55 = tpu.memref_slice %arg2[%dma_start3A_53, %dma_start3A_54] : memref<10000x128xf32, #tpu.memory_space<hbm>> -> memref<16x128xf32, #tpu.memory_space<hbm>>
        tpu.enqueue_dma source(%dma_start3A_55 : memref<16x128xf32, #tpu.memory_space<hbm>>) target(%dma_start3A_52 : memref<16x128xf32, #tpu.memory_space<vmem_shared>>) target_semaphore(%run_scoped3A_49 : memref<!tpu.dma_semaphore, #tpu.memory_space<semaphore_mem>>)
        %dma_wait3A = arith.constant 9984 : i32
        %dma_wait3A_56 = arith.constant 0 : i32
        %dma_wait3A_57 = tpu.memref_slice %arg11[%dma_wait3A, %dma_wait3A_56] : memref<10240x128xf32, #tpu.memory_space<vmem_shared>> -> memref<16x128xf32, #tpu.memory_space<vmem_shared>>
        %dma_wait3A_58 = arith.constant 9984 : i32
        %dma_wait3A_59 = arith.constant 0 : i32
        %dma_wait3A_60 = tpu.memref_slice %arg2[%dma_wait3A_58, %dma_wait3A_59] : memref<10000x128xf32, #tpu.memory_space<hbm>> -> memref<16x128xf32, #tpu.memory_space<hbm>>
        tpu.wait_dma2 semaphore(%run_scoped3A_49 : memref<!tpu.dma_semaphore, #tpu.memory_space<semaphore_mem>>) src(%dma_wait3A_60 : memref<16x128xf32, #tpu.memory_space<hbm>>) dst(%dma_wait3A_57 : memref<16x128xf32, #tpu.memory_space<vmem_shared>>)
        tpu.yield
      }) : () -> ()
      "tpu.region"() ({
        %run_scoped3A_49 = tpu.sem_alloc : memref<!tpu.dma_semaphore, #tpu.memory_space<semaphore_mem>>
        %dma_start3A_50 = arith.constant 10000 : i32
        %dma_start3A_51 = arith.constant 0 : i32
        %dma_start3A_52 = tpu.memref_slice %arg11[%dma_start3A_50, %dma_start3A_51] : memref<10240x128xf32, #tpu.memory_space<vmem_shared>> -> memref<240x128xf32, #tpu.memory_space<vmem_shared>>
        %dma_start3A_53 = arith.constant 0 : i32
        %dma_start3A_54 = arith.constant 0 : i32
        %dma_start3A_55 = tpu.memref_slice %arg5[%dma_start3A_53, %dma_start3A_54] : memref<10240x128xf32, #tpu.memory_space<hbm>> -> memref<240x128xf32, #tpu.memory_space<hbm>>
        tpu.enqueue_dma source(%dma_start3A_55 : memref<240x128xf32, #tpu.memory_space<hbm>>) target(%dma_start3A_52 : memref<240x128xf32, #tpu.memory_space<vmem_shared>>) target_semaphore(%run_scoped3A_49 : memref<!tpu.dma_semaphore, #tpu.memory_space<semaphore_mem>>)
        %dma_wait3A = arith.constant 10000 : i32
        %dma_wait3A_56 = arith.constant 0 : i32
        %dma_wait3A_57 = tpu.memref_slice %arg11[%dma_wait3A, %dma_wait3A_56] : memref<10240x128xf32, #tpu.memory_space<vmem_shared>> -> memref<240x128xf32, #tpu.memory_space<vmem_shared>>
        %dma_wait3A_58 = arith.constant 0 : i32
        %dma_wait3A_59 = arith.constant 0 : i32
        %dma_wait3A_60 = tpu.memref_slice %arg5[%dma_wait3A_58, %dma_wait3A_59] : memref<10240x128xf32, #tpu.memory_space<hbm>> -> memref<240x128xf32, #tpu.memory_space<hbm>>
        tpu.wait_dma2 semaphore(%run_scoped3A_49 : memref<!tpu.dma_semaphore, #tpu.memory_space<semaphore_mem>>) src(%dma_wait3A_60 : memref<240x128xf32, #tpu.memory_space<hbm>>) dst(%dma_wait3A_57 : memref<240x128xf32, #tpu.memory_space<vmem_shared>>)
        tpu.yield
      }) : () -> ()
    } else {
    }
    %eq3A_10 = arith.constant 1 : i32
    %eq3A_11 = arith.cmpi eq, %arg0, %eq3A_10 : i32
    %convert_element_type3A_12 = arith.extui %eq3A_11 : i1 to i32
    %cond3A_13 = arith.constant 0 : i32
    %cond3A_14 = arith.cmpi ne, %convert_element_type3A_12, %cond3A_13 : i32
    scf.if %cond3A_14 {
      %mul3A_49 = arith.constant 640 : i32
      %mul3A_50 = arith.muli %arg1, %mul3A_49 : i32
      %mul3A_51 = arith.constant 640 : i32
      %mul3A_52 = arith.muli %arg1, %mul3A_51 : i32
      "tpu.region"() ({
        %run_scoped3A_53 = tpu.sem_alloc : memref<!tpu.dma_semaphore, #tpu.memory_space<semaphore_mem>>
        %dma_start3A_54 = arith.constant 0 : i32
        %dma_start3A_55 = tpu.memref_slice %arg11[%mul3A_52, %dma_start3A_54] : memref<10240x128xf32, #tpu.memory_space<vmem_shared>> -> memref<640x128xf32, #tpu.memory_space<vmem_shared>>
        %dma_start3A_56 = arith.constant 0 : i32
        %dma_start3A_57 = tpu.memref_slice %arg5[%mul3A_50, %dma_start3A_56] : memref<10240x128xf32, #tpu.memory_space<hbm>> -> memref<640x128xf32, #tpu.memory_space<hbm>>
        tpu.enqueue_dma source(%dma_start3A_57 : memref<640x128xf32, #tpu.memory_space<hbm>>) target(%dma_start3A_55 : memref<640x128xf32, #tpu.memory_space<vmem_shared>>) target_semaphore(%run_scoped3A_53 : memref<!tpu.dma_semaphore, #tpu.memory_space<semaphore_mem>>)
        %dma_wait3A = arith.constant 0 : i32
        %dma_wait3A_58 = tpu.memref_slice %arg11[%mul3A_52, %dma_wait3A] : memref<10240x128xf32, #tpu.memory_space<vmem_shared>> -> memref<640x128xf32, #tpu.memory_space<vmem_shared>>
        %dma_wait3A_59 = arith.constant 0 : i32
        %dma_wait3A_60 = tpu.memref_slice %arg5[%mul3A_50, %dma_wait3A_59] : memref<10240x128xf32, #tpu.memory_space<hbm>> -> memref<640x128xf32, #tpu.memory_space<hbm>>
        tpu.wait_dma2 semaphore(%run_scoped3A_53 : memref<!tpu.dma_semaphore, #tpu.memory_space<semaphore_mem>>) src(%dma_wait3A_60 : memref<640x128xf32, #tpu.memory_space<hbm>>) dst(%dma_wait3A_58 : memref<640x128xf32, #tpu.memory_space<vmem_shared>>)
        tpu.yield
      }) : () -> ()
    } else {
    }
    %barrier3A = arith.constant 0 : index
    tpu.barrier barrier_id(%barrier3A)
    %run_scoped3A = arith.constant 0 : i32
    "tpu.region"() ({
      %run_scoped3A_49 = tpu.sem_alloc : memref<!tpu.dma_semaphore, #tpu.memory_space<semaphore_mem>>
      %dma_start3A_50 = arith.constant 0 : i32
      %dma_start3A_51 = arith.constant 0 : i32
      %dma_start3A_52 = tpu.memref_slice %arg3[%add3A, %run_scoped3A, %dma_start3A_50, %dma_start3A_51] : memref<32x2x40x128xi32, #tpu.memory_space<hbm>> -> memref<1x1x40x128xi32, #tpu.memory_space<hbm>>
      %dma_start3A_53 = tpu.memref_squeeze %dma_start3A_52 : memref<1x1x40x128xi32, #tpu.memory_space<hbm>> -> memref<40x128xi32, #tpu.memory_space<hbm>>
      %dma_start3A_54 = arith.constant 0 : i32
      %dma_start3A_55 = arith.constant 0 : i32
      %dma_start3A_56 = tpu.memref_slice %arg3[%add3A, %run_scoped3A, %dma_start3A_54, %dma_start3A_55] : memref<32x2x40x128xi32, #tpu.memory_space<hbm>> -> memref<1x1x40x128xi32, #tpu.memory_space<hbm>>
      %dma_start3A_57 = tpu.memref_squeeze %dma_start3A_56 : memref<1x1x40x128xi32, #tpu.memory_space<hbm>> -> memref<40x128xi32, #tpu.memory_space<hbm>>
      tpu.enqueue_dma source(%dma_start3A_57 : memref<40x128xi32, #tpu.memory_space<hbm>>) target(%arg7 : memref<40x128xi32, #tpu.memory_space<vmem>>) target_semaphore(%run_scoped3A_49 : memref<!tpu.dma_semaphore, #tpu.memory_space<semaphore_mem>>)
      %dma_wait3A = arith.constant 0 : i32
      %dma_wait3A_58 = arith.constant 0 : i32
      %dma_wait3A_59 = tpu.memref_slice %arg3[%add3A, %run_scoped3A, %dma_wait3A, %dma_wait3A_58] : memref<32x2x40x128xi32, #tpu.memory_space<hbm>> -> memref<1x1x40x128xi32, #tpu.memory_space<hbm>>
      %dma_wait3A_60 = tpu.memref_squeeze %dma_wait3A_59 : memref<1x1x40x128xi32, #tpu.memory_space<hbm>> -> memref<40x128xi32, #tpu.memory_space<hbm>>
      %dma_wait3A_61 = arith.constant 0 : i32
      %dma_wait3A_62 = arith.constant 0 : i32
      %dma_wait3A_63 = tpu.memref_slice %arg3[%add3A, %run_scoped3A, %dma_wait3A_61, %dma_wait3A_62] : memref<32x2x40x128xi32, #tpu.memory_space<hbm>> -> memref<1x1x40x128xi32, #tpu.memory_space<hbm>>
      %dma_wait3A_64 = tpu.memref_squeeze %dma_wait3A_63 : memref<1x1x40x128xi32, #tpu.memory_space<hbm>> -> memref<40x128xi32, #tpu.memory_space<hbm>>
      tpu.wait_dma2 semaphore(%run_scoped3A_49 : memref<!tpu.dma_semaphore, #tpu.memory_space<semaphore_mem>>) src(%dma_wait3A_64 : memref<40x128xi32, #tpu.memory_space<hbm>>) dst(%arg7 : memref<40x128xi32, #tpu.memory_space<vmem>>)
      tpu.yield
    }) : () -> ()
    %run_scoped3A_15 = arith.constant 0 : i32
    "tpu.region"() ({
      %run_scoped3A_49 = tpu.sem_alloc : memref<!tpu.dma_semaphore, #tpu.memory_space<semaphore_mem>>
      %dma_start3A_50 = arith.constant 0 : i32
      %dma_start3A_51 = arith.constant 0 : i32
      %dma_start3A_52 = tpu.memref_slice %arg4[%add3A, %run_scoped3A_15, %dma_start3A_50, %dma_start3A_51] : memref<32x2x40x128xi32, #tpu.memory_space<hbm>> -> memref<1x1x40x128xi32, #tpu.memory_space<hbm>>
      %dma_start3A_53 = tpu.memref_squeeze %dma_start3A_52 : memref<1x1x40x128xi32, #tpu.memory_space<hbm>> -> memref<40x128xi32, #tpu.memory_space<hbm>>
      %dma_start3A_54 = arith.constant 0 : i32
      %dma_start3A_55 = arith.constant 0 : i32
      %dma_start3A_56 = tpu.memref_slice %arg4[%add3A, %run_scoped3A_15, %dma_start3A_54, %dma_start3A_55] : memref<32x2x40x128xi32, #tpu.memory_space<hbm>> -> memref<1x1x40x128xi32, #tpu.memory_space<hbm>>
      %dma_start3A_57 = tpu.memref_squeeze %dma_start3A_56 : memref<1x1x40x128xi32, #tpu.memory_space<hbm>> -> memref<40x128xi32, #tpu.memory_space<hbm>>
      tpu.enqueue_dma source(%dma_start3A_57 : memref<40x128xi32, #tpu.memory_space<hbm>>) target(%arg8 : memref<40x128xi32, #tpu.memory_space<vmem>>) target_semaphore(%run_scoped3A_49 : memref<!tpu.dma_semaphore, #tpu.memory_space<semaphore_mem>>)
      %dma_wait3A = arith.constant 0 : i32
      %dma_wait3A_58 = arith.constant 0 : i32
      %dma_wait3A_59 = tpu.memref_slice %arg4[%add3A, %run_scoped3A_15, %dma_wait3A, %dma_wait3A_58] : memref<32x2x40x128xi32, #tpu.memory_space<hbm>> -> memref<1x1x40x128xi32, #tpu.memory_space<hbm>>
      %dma_wait3A_60 = tpu.memref_squeeze %dma_wait3A_59 : memref<1x1x40x128xi32, #tpu.memory_space<hbm>> -> memref<40x128xi32, #tpu.memory_space<hbm>>
      %dma_wait3A_61 = arith.constant 0 : i32
      %dma_wait3A_62 = arith.constant 0 : i32
      %dma_wait3A_63 = tpu.memref_slice %arg4[%add3A, %run_scoped3A_15, %dma_wait3A_61, %dma_wait3A_62] : memref<32x2x40x128xi32, #tpu.memory_space<hbm>> -> memref<1x1x40x128xi32, #tpu.memory_space<hbm>>
      %dma_wait3A_64 = tpu.memref_squeeze %dma_wait3A_63 : memref<1x1x40x128xi32, #tpu.memory_space<hbm>> -> memref<40x128xi32, #tpu.memory_space<hbm>>
      tpu.wait_dma2 semaphore(%run_scoped3A_49 : memref<!tpu.dma_semaphore, #tpu.memory_space<semaphore_mem>>) src(%dma_wait3A_64 : memref<40x128xi32, #tpu.memory_space<hbm>>) dst(%arg8 : memref<40x128xi32, #tpu.memory_space<vmem>>)
      tpu.yield
    }) : () -> ()
    %dma_start3A = arith.constant 0 : i32
    %dma_start3A_16 = arith.constant 0 : i32
    %dma_start3A_17 = tpu.memref_slice %arg7[%dma_start3A, %dma_start3A_16] : memref<40x128xi32, #tpu.memory_space<vmem>> -> memref<1x128xi32, #tpu.memory_space<vmem>>
    %dma_start3A_18 = tpu.memref_squeeze %dma_start3A_17 : memref<1x128xi32, #tpu.memory_space<vmem>> -> memref<128xi32, #tpu.memory_space<vmem>>
    %dma_start3A_19 = arith.constant 0 : i32
    %dma_start3A_20 = arith.constant 0 : i32
    %dma_start3A_21 = tpu.memref_slice %arg2[%dma_start3A_19, %dma_start3A_20] : memref<10000x128xf32, #tpu.memory_space<hbm>> -> memref<10000x128xf32, #tpu.memory_space<hbm>>
    tpu.enqueue_indirect_dma source(%dma_start3A_21 : memref<10000x128xf32, #tpu.memory_space<hbm>>) target(%arg9 : memref<128x128xf32, #tpu.memory_space<vmem>>) offsets(%dma_start3A_18 : memref<128xi32, #tpu.memory_space<vmem>>) semaphore(%arg12 : memref<!tpu.dma_semaphore, #tpu.memory_space<semaphore_mem>>)
    %scan3A = arith.constant 0 : i32
    %scan3A_22 = arith.constant 0 : i32
    %scan3A_23 = arith.constant 20 : i32
    %scan3A_24 = arith.addi %scan3A_22, %scan3A_23 : i32
    %scan3A_25 = arith.constant 1 : i32
    scf.for %scan3A_49 = %scan3A_22 to %scan3A_24 step %scan3A_25  : i32 {
      %mul3A_50 = arith.constant 2 : i32
      %mul3A_51 = arith.muli %mul3A_50, %scan3A_49 : i32
      %add3A_52 = arith.constant 1 : i32
      %add3A_53 = arith.addi %mul3A_51, %add3A_52 : i32
      %dma_start3A_54 = arith.constant 0 : i32
      %dma_start3A_55 = tpu.memref_slice %arg7[%add3A_53, %dma_start3A_54] : memref<40x128xi32, #tpu.memory_space<vmem>> -> memref<1x128xi32, #tpu.memory_space<vmem>>
      %dma_start3A_56 = tpu.memref_squeeze %dma_start3A_55 : memref<1x128xi32, #tpu.memory_space<vmem>> -> memref<128xi32, #tpu.memory_space<vmem>>
      %dma_start3A_57 = arith.constant 0 : i32
      %dma_start3A_58 = arith.constant 0 : i32
      %dma_start3A_59 = tpu.memref_slice %arg2[%dma_start3A_57, %dma_start3A_58] : memref<10000x128xf32, #tpu.memory_space<hbm>> -> memref<10000x128xf32, #tpu.memory_space<hbm>>
      tpu.enqueue_indirect_dma source(%dma_start3A_59 : memref<10000x128xf32, #tpu.memory_space<hbm>>) target(%arg10 : memref<128x128xf32, #tpu.memory_space<vmem>>) offsets(%dma_start3A_56 : memref<128xi32, #tpu.memory_space<vmem>>) semaphore(%arg13 : memref<!tpu.dma_semaphore, #tpu.memory_space<semaphore_mem>>)
      %dma_wait3A = arith.constant 0 : i32
      %dma_wait3A_60 = tpu.memref_slice %arg7[%mul3A_51, %dma_wait3A] : memref<40x128xi32, #tpu.memory_space<vmem>> -> memref<1x128xi32, #tpu.memory_space<vmem>>
      %dma_wait3A_61 = tpu.memref_squeeze %dma_wait3A_60 : memref<1x128xi32, #tpu.memory_space<vmem>> -> memref<128xi32, #tpu.memory_space<vmem>>
      %dma_wait3A_62 = arith.constant 0 : i32
      %dma_wait3A_63 = arith.constant 0 : i32
      %dma_wait3A_64 = tpu.memref_slice %arg2[%dma_wait3A_62, %dma_wait3A_63] : memref<10000x128xf32, #tpu.memory_space<hbm>> -> memref<10000x128xf32, #tpu.memory_space<hbm>>
      tpu.wait_indirect_dma semaphore(%arg12 : memref<!tpu.dma_semaphore, #tpu.memory_space<semaphore_mem>>) src(%dma_wait3A_64 : memref<10000x128xf32, #tpu.memory_space<hbm>>) dst(%arg9 : memref<128x128xf32, #tpu.memory_space<vmem>>)
      "tpu.region"() ({
        %run_scoped3A_81 = tpu.sem_alloc : memref<!tpu.dma_semaphore, #tpu.memory_space<semaphore_mem>>
        %dma_start3A_82 = arith.constant 0 : i32
        %dma_start3A_83 = tpu.memref_slice %arg8[%mul3A_51, %dma_start3A_82] : memref<40x128xi32, #tpu.memory_space<vmem>> -> memref<1x128xi32, #tpu.memory_space<vmem>>
        %dma_start3A_84 = tpu.memref_squeeze %dma_start3A_83 : memref<1x128xi32, #tpu.memory_space<vmem>> -> memref<128xi32, #tpu.memory_space<vmem>>
        %dma_start3A_85 = arith.constant 0 : i32
        %dma_start3A_86 = arith.constant 0 : i32
        %dma_start3A_87 = tpu.memref_slice %arg11[%dma_start3A_85, %dma_start3A_86] : memref<10240x128xf32, #tpu.memory_space<vmem_shared>> -> memref<10240x128xf32, #tpu.memory_space<vmem_shared>>
        tpu.enqueue_indirect_dma source(%arg9 : memref<128x128xf32, #tpu.memory_space<vmem>>) target(%dma_start3A_87 : memref<10240x128xf32, #tpu.memory_space<vmem_shared>>) offsets(%dma_start3A_84 : memref<128xi32, #tpu.memory_space<vmem>>) semaphore(%run_scoped3A_81 : memref<!tpu.dma_semaphore, #tpu.memory_space<semaphore_mem>>) {add = true}
        %dma_wait3A_88 = arith.constant 0 : i32
        %dma_wait3A_89 = tpu.memref_slice %arg8[%mul3A_51, %dma_wait3A_88] : memref<40x128xi32, #tpu.memory_space<vmem>> -> memref<1x128xi32, #tpu.memory_space<vmem>>
        %dma_wait3A_90 = tpu.memref_squeeze %dma_wait3A_89 : memref<1x128xi32, #tpu.memory_space<vmem>> -> memref<128xi32, #tpu.memory_space<vmem>>
        %dma_wait3A_91 = arith.constant 0 : i32
        %dma_wait3A_92 = arith.constant 0 : i32
        %dma_wait3A_93 = tpu.memref_slice %arg11[%dma_wait3A_91, %dma_wait3A_92] : memref<10240x128xf32, #tpu.memory_space<vmem_shared>> -> memref<10240x128xf32, #tpu.memory_space<vmem_shared>>
        tpu.wait_indirect_dma semaphore(%run_scoped3A_81 : memref<!tpu.dma_semaphore, #tpu.memory_space<semaphore_mem>>) src(%arg9 : memref<128x128xf32, #tpu.memory_space<vmem>>) dst(%dma_wait3A_93 : memref<10240x128xf32, #tpu.memory_space<vmem_shared>>)
        tpu.yield
      }) : () -> ()
      %add3A_65 = arith.constant 2 : i32
      %add3A_66 = arith.addi %mul3A_51, %add3A_65 : i32
      %lt3A = arith.constant 40 : i32
      %lt3A_67 = arith.cmpi slt, %add3A_66, %lt3A : i32
      %convert_element_type3A_68 = arith.extui %lt3A_67 : i1 to i32
      %cond3A_69 = arith.constant 0 : i32
      %cond3A_70 = arith.cmpi ne, %convert_element_type3A_68, %cond3A_69 : i32
      scf.if %cond3A_70 {
        %add3A_81 = arith.constant 2 : i32
        %add3A_82 = arith.addi %mul3A_51, %add3A_81 : i32
        %dma_start3A_83 = arith.constant 0 : i32
        %dma_start3A_84 = tpu.memref_slice %arg7[%add3A_82, %dma_start3A_83] : memref<40x128xi32, #tpu.memory_space<vmem>> -> memref<1x128xi32, #tpu.memory_space<vmem>>
        %dma_start3A_85 = tpu.memref_squeeze %dma_start3A_84 : memref<1x128xi32, #tpu.memory_space<vmem>> -> memref<128xi32, #tpu.memory_space<vmem>>
        %dma_start3A_86 = arith.constant 0 : i32
        %dma_start3A_87 = arith.constant 0 : i32
        %dma_start3A_88 = tpu.memref_slice %arg2[%dma_start3A_86, %dma_start3A_87] : memref<10000x128xf32, #tpu.memory_space<hbm>> -> memref<10000x128xf32, #tpu.memory_space<hbm>>
        tpu.enqueue_indirect_dma source(%dma_start3A_88 : memref<10000x128xf32, #tpu.memory_space<hbm>>) target(%arg9 : memref<128x128xf32, #tpu.memory_space<vmem>>) offsets(%dma_start3A_85 : memref<128xi32, #tpu.memory_space<vmem>>) semaphore(%arg12 : memref<!tpu.dma_semaphore, #tpu.memory_space<semaphore_mem>>)
      } else {
      }
      %add3A_71 = arith.constant 1 : i32
      %add3A_72 = arith.addi %mul3A_51, %add3A_71 : i32
      %dma_wait3A_73 = arith.constant 0 : i32
      %dma_wait3A_74 = tpu.memref_slice %arg7[%add3A_72, %dma_wait3A_73] : memref<40x128xi32, #tpu.memory_space<vmem>> -> memref<1x128xi32, #tpu.memory_space<vmem>>
      %dma_wait3A_75 = tpu.memref_squeeze %dma_wait3A_74 : memref<1x128xi32, #tpu.memory_space<vmem>> -> memref<128xi32, #tpu.memory_space<vmem>>
      %dma_wait3A_76 = arith.constant 0 : i32
      %dma_wait3A_77 = arith.constant 0 : i32
      %dma_wait3A_78 = tpu.memref_slice %arg2[%dma_wait3A_76, %dma_wait3A_77] : memref<10000x128xf32, #tpu.memory_space<hbm>> -> memref<10000x128xf32, #tpu.memory_space<hbm>>
      tpu.wait_indirect_dma semaphore(%arg13 : memref<!tpu.dma_semaphore, #tpu.memory_space<semaphore_mem>>) src(%dma_wait3A_78 : memref<10000x128xf32, #tpu.memory_space<hbm>>) dst(%arg10 : memref<128x128xf32, #tpu.memory_space<vmem>>)
      %add3A_79 = arith.constant 1 : i32
      %add3A_80 = arith.addi %mul3A_51, %add3A_79 : i32
      "tpu.region"() ({
        %run_scoped3A_81 = tpu.sem_alloc : memref<!tpu.dma_semaphore, #tpu.memory_space<semaphore_mem>>
        %dma_start3A_82 = arith.constant 0 : i32
        %dma_start3A_83 = tpu.memref_slice %arg8[%add3A_80, %dma_start3A_82] : memref<40x128xi32, #tpu.memory_space<vmem>> -> memref<1x128xi32, #tpu.memory_space<vmem>>
        %dma_start3A_84 = tpu.memref_squeeze %dma_start3A_83 : memref<1x128xi32, #tpu.memory_space<vmem>> -> memref<128xi32, #tpu.memory_space<vmem>>
        %dma_start3A_85 = arith.constant 0 : i32
        %dma_start3A_86 = arith.constant 0 : i32
        %dma_start3A_87 = tpu.memref_slice %arg11[%dma_start3A_85, %dma_start3A_86] : memref<10240x128xf32, #tpu.memory_space<vmem_shared>> -> memref<10240x128xf32, #tpu.memory_space<vmem_shared>>
        tpu.enqueue_indirect_dma source(%arg10 : memref<128x128xf32, #tpu.memory_space<vmem>>) target(%dma_start3A_87 : memref<10240x128xf32, #tpu.memory_space<vmem_shared>>) offsets(%dma_start3A_84 : memref<128xi32, #tpu.memory_space<vmem>>) semaphore(%run_scoped3A_81 : memref<!tpu.dma_semaphore, #tpu.memory_space<semaphore_mem>>) {add = true}
        %dma_wait3A_88 = arith.constant 0 : i32
        %dma_wait3A_89 = tpu.memref_slice %arg8[%add3A_80, %dma_wait3A_88] : memref<40x128xi32, #tpu.memory_space<vmem>> -> memref<1x128xi32, #tpu.memory_space<vmem>>
        %dma_wait3A_90 = tpu.memref_squeeze %dma_wait3A_89 : memref<1x128xi32, #tpu.memory_space<vmem>> -> memref<128xi32, #tpu.memory_space<vmem>>
        %dma_wait3A_91 = arith.constant 0 : i32
        %dma_wait3A_92 = arith.constant 0 : i32
        %dma_wait3A_93 = tpu.memref_slice %arg11[%dma_wait3A_91, %dma_wait3A_92] : memref<10240x128xf32, #tpu.memory_space<vmem_shared>> -> memref<10240x128xf32, #tpu.memory_space<vmem_shared>>
        tpu.wait_indirect_dma semaphore(%run_scoped3A_81 : memref<!tpu.dma_semaphore, #tpu.memory_space<semaphore_mem>>) src(%arg10 : memref<128x128xf32, #tpu.memory_space<vmem>>) dst(%dma_wait3A_93 : memref<10240x128xf32, #tpu.memory_space<vmem_shared>>)
        tpu.yield
      }) : () -> ()
    }
    %scan3A_26 = arith.constant 20 : i32
    %run_scoped3A_27 = arith.constant 1 : i32
    "tpu.region"() ({
      %run_scoped3A_49 = tpu.sem_alloc : memref<!tpu.dma_semaphore, #tpu.memory_space<semaphore_mem>>
      %dma_start3A_50 = arith.constant 0 : i32
      %dma_start3A_51 = arith.constant 0 : i32
      %dma_start3A_52 = tpu.memref_slice %arg3[%add3A, %run_scoped3A_27, %dma_start3A_50, %dma_start3A_51] : memref<32x2x40x128xi32, #tpu.memory_space<hbm>> -> memref<1x1x40x128xi32, #tpu.memory_space<hbm>>
      %dma_start3A_53 = tpu.memref_squeeze %dma_start3A_52 : memref<1x1x40x128xi32, #tpu.memory_space<hbm>> -> memref<40x128xi32, #tpu.memory_space<hbm>>
      %dma_start3A_54 = arith.constant 0 : i32
      %dma_start3A_55 = arith.constant 0 : i32
      %dma_start3A_56 = tpu.memref_slice %arg3[%add3A, %run_scoped3A_27, %dma_start3A_54, %dma_start3A_55] : memref<32x2x40x128xi32, #tpu.memory_space<hbm>> -> memref<1x1x40x128xi32, #tpu.memory_space<hbm>>
      %dma_start3A_57 = tpu.memref_squeeze %dma_start3A_56 : memref<1x1x40x128xi32, #tpu.memory_space<hbm>> -> memref<40x128xi32, #tpu.memory_space<hbm>>
      tpu.enqueue_dma source(%dma_start3A_57 : memref<40x128xi32, #tpu.memory_space<hbm>>) target(%arg7 : memref<40x128xi32, #tpu.memory_space<vmem>>) target_semaphore(%run_scoped3A_49 : memref<!tpu.dma_semaphore, #tpu.memory_space<semaphore_mem>>)
      %dma_wait3A = arith.constant 0 : i32
      %dma_wait3A_58 = arith.constant 0 : i32
      %dma_wait3A_59 = tpu.memref_slice %arg3[%add3A, %run_scoped3A_27, %dma_wait3A, %dma_wait3A_58] : memref<32x2x40x128xi32, #tpu.memory_space<hbm>> -> memref<1x1x40x128xi32, #tpu.memory_space<hbm>>
      %dma_wait3A_60 = tpu.memref_squeeze %dma_wait3A_59 : memref<1x1x40x128xi32, #tpu.memory_space<hbm>> -> memref<40x128xi32, #tpu.memory_space<hbm>>
      %dma_wait3A_61 = arith.constant 0 : i32
      %dma_wait3A_62 = arith.constant 0 : i32
      %dma_wait3A_63 = tpu.memref_slice %arg3[%add3A, %run_scoped3A_27, %dma_wait3A_61, %dma_wait3A_62] : memref<32x2x40x128xi32, #tpu.memory_space<hbm>> -> memref<1x1x40x128xi32, #tpu.memory_space<hbm>>
      %dma_wait3A_64 = tpu.memref_squeeze %dma_wait3A_63 : memref<1x1x40x128xi32, #tpu.memory_space<hbm>> -> memref<40x128xi32, #tpu.memory_space<hbm>>
      tpu.wait_dma2 semaphore(%run_scoped3A_49 : memref<!tpu.dma_semaphore, #tpu.memory_space<semaphore_mem>>) src(%dma_wait3A_64 : memref<40x128xi32, #tpu.memory_space<hbm>>) dst(%arg7 : memref<40x128xi32, #tpu.memory_space<vmem>>)
      tpu.yield
    }) : () -> ()
    %run_scoped3A_28 = arith.constant 1 : i32
    "tpu.region"() ({
      %run_scoped3A_49 = tpu.sem_alloc : memref<!tpu.dma_semaphore, #tpu.memory_space<semaphore_mem>>
      %dma_start3A_50 = arith.constant 0 : i32
      %dma_start3A_51 = arith.constant 0 : i32
      %dma_start3A_52 = tpu.memref_slice %arg4[%add3A, %run_scoped3A_28, %dma_start3A_50, %dma_start3A_51] : memref<32x2x40x128xi32, #tpu.memory_space<hbm>> -> memref<1x1x40x128xi32, #tpu.memory_space<hbm>>
      %dma_start3A_53 = tpu.memref_squeeze %dma_start3A_52 : memref<1x1x40x128xi32, #tpu.memory_space<hbm>> -> memref<40x128xi32, #tpu.memory_space<hbm>>
      %dma_start3A_54 = arith.constant 0 : i32
      %dma_start3A_55 = arith.constant 0 : i32
      %dma_start3A_56 = tpu.memref_slice %arg4[%add3A, %run_scoped3A_28, %dma_start3A_54, %dma_start3A_55] : memref<32x2x40x128xi32, #tpu.memory_space<hbm>> -> memref<1x1x40x128xi32, #tpu.memory_space<hbm>>
      %dma_start3A_57 = tpu.memref_squeeze %dma_start3A_56 : memref<1x1x40x128xi32, #tpu.memory_space<hbm>> -> memref<40x128xi32, #tpu.memory_space<hbm>>
      tpu.enqueue_dma source(%dma_start3A_57 : memref<40x128xi32, #tpu.memory_space<hbm>>) target(%arg8 : memref<40x128xi32, #tpu.memory_space<vmem>>) target_semaphore(%run_scoped3A_49 : memref<!tpu.dma_semaphore, #tpu.memory_space<semaphore_mem>>)
      %dma_wait3A = arith.constant 0 : i32
      %dma_wait3A_58 = arith.constant 0 : i32
      %dma_wait3A_59 = tpu.memref_slice %arg4[%add3A, %run_scoped3A_28, %dma_wait3A, %dma_wait3A_58] : memref<32x2x40x128xi32, #tpu.memory_space<hbm>> -> memref<1x1x40x128xi32, #tpu.memory_space<hbm>>
      %dma_wait3A_60 = tpu.memref_squeeze %dma_wait3A_59 : memref<1x1x40x128xi32, #tpu.memory_space<hbm>> -> memref<40x128xi32, #tpu.memory_space<hbm>>
      %dma_wait3A_61 = arith.constant 0 : i32
      %dma_wait3A_62 = arith.constant 0 : i32
      %dma_wait3A_63 = tpu.memref_slice %arg4[%add3A, %run_scoped3A_28, %dma_wait3A_61, %dma_wait3A_62] : memref<32x2x40x128xi32, #tpu.memory_space<hbm>> -> memref<1x1x40x128xi32, #tpu.memory_space<hbm>>
      %dma_wait3A_64 = tpu.memref_squeeze %dma_wait3A_63 : memref<1x1x40x128xi32, #tpu.memory_space<hbm>> -> memref<40x128xi32, #tpu.memory_space<hbm>>
      tpu.wait_dma2 semaphore(%run_scoped3A_49 : memref<!tpu.dma_semaphore, #tpu.memory_space<semaphore_mem>>) src(%dma_wait3A_64 : memref<40x128xi32, #tpu.memory_space<hbm>>) dst(%arg8 : memref<40x128xi32, #tpu.memory_space<vmem>>)
      tpu.yield
    }) : () -> ()
    %dma_start3A_29 = arith.constant 0 : i32
    %dma_start3A_30 = arith.constant 0 : i32
    %dma_start3A_31 = tpu.memref_slice %arg7[%dma_start3A_29, %dma_start3A_30] : memref<40x128xi32, #tpu.memory_space<vmem>> -> memref<1x128xi32, #tpu.memory_space<vmem>>
    %dma_start3A_32 = tpu.memref_squeeze %dma_start3A_31 : memref<1x128xi32, #tpu.memory_space<vmem>> -> memref<128xi32, #tpu.memory_space<vmem>>
    %dma_start3A_33 = arith.constant 0 : i32
    %dma_start3A_34 = arith.constant 0 : i32
    %dma_start3A_35 = tpu.memref_slice %arg2[%dma_start3A_33, %dma_start3A_34] : memref<10000x128xf32, #tpu.memory_space<hbm>> -> memref<10000x128xf32, #tpu.memory_space<hbm>>
    tpu.enqueue_indirect_dma source(%dma_start3A_35 : memref<10000x128xf32, #tpu.memory_space<hbm>>) target(%arg9 : memref<128x128xf32, #tpu.memory_space<vmem>>) offsets(%dma_start3A_32 : memref<128xi32, #tpu.memory_space<vmem>>) semaphore(%arg12 : memref<!tpu.dma_semaphore, #tpu.memory_space<semaphore_mem>>)
    %scan3A_36 = arith.constant 0 : i32
    %scan3A_37 = arith.constant 0 : i32
    %scan3A_38 = arith.constant 20 : i32
    %scan3A_39 = arith.addi %scan3A_37, %scan3A_38 : i32
    %scan3A_40 = arith.constant 1 : i32
    scf.for %scan3A_49 = %scan3A_37 to %scan3A_39 step %scan3A_40  : i32 {
      %mul3A_50 = arith.constant 2 : i32
      %mul3A_51 = arith.muli %mul3A_50, %scan3A_49 : i32
      %add3A_52 = arith.constant 1 : i32
      %add3A_53 = arith.addi %mul3A_51, %add3A_52 : i32
      %dma_start3A_54 = arith.constant 0 : i32
      %dma_start3A_55 = tpu.memref_slice %arg7[%add3A_53, %dma_start3A_54] : memref<40x128xi32, #tpu.memory_space<vmem>> -> memref<1x128xi32, #tpu.memory_space<vmem>>
      %dma_start3A_56 = tpu.memref_squeeze %dma_start3A_55 : memref<1x128xi32, #tpu.memory_space<vmem>> -> memref<128xi32, #tpu.memory_space<vmem>>
      %dma_start3A_57 = arith.constant 0 : i32
      %dma_start3A_58 = arith.constant 0 : i32
      %dma_start3A_59 = tpu.memref_slice %arg2[%dma_start3A_57, %dma_start3A_58] : memref<10000x128xf32, #tpu.memory_space<hbm>> -> memref<10000x128xf32, #tpu.memory_space<hbm>>
      tpu.enqueue_indirect_dma source(%dma_start3A_59 : memref<10000x128xf32, #tpu.memory_space<hbm>>) target(%arg10 : memref<128x128xf32, #tpu.memory_space<vmem>>) offsets(%dma_start3A_56 : memref<128xi32, #tpu.memory_space<vmem>>) semaphore(%arg13 : memref<!tpu.dma_semaphore, #tpu.memory_space<semaphore_mem>>)
      %dma_wait3A = arith.constant 0 : i32
      %dma_wait3A_60 = tpu.memref_slice %arg7[%mul3A_51, %dma_wait3A] : memref<40x128xi32, #tpu.memory_space<vmem>> -> memref<1x128xi32, #tpu.memory_space<vmem>>
      %dma_wait3A_61 = tpu.memref_squeeze %dma_wait3A_60 : memref<1x128xi32, #tpu.memory_space<vmem>> -> memref<128xi32, #tpu.memory_space<vmem>>
      %dma_wait3A_62 = arith.constant 0 : i32
      %dma_wait3A_63 = arith.constant 0 : i32
      %dma_wait3A_64 = tpu.memref_slice %arg2[%dma_wait3A_62, %dma_wait3A_63] : memref<10000x128xf32, #tpu.memory_space<hbm>> -> memref<10000x128xf32, #tpu.memory_space<hbm>>
      tpu.wait_indirect_dma semaphore(%arg12 : memref<!tpu.dma_semaphore, #tpu.memory_space<semaphore_mem>>) src(%dma_wait3A_64 : memref<10000x128xf32, #tpu.memory_space<hbm>>) dst(%arg9 : memref<128x128xf32, #tpu.memory_space<vmem>>)
      "tpu.region"() ({
        %run_scoped3A_81 = tpu.sem_alloc : memref<!tpu.dma_semaphore, #tpu.memory_space<semaphore_mem>>
        %dma_start3A_82 = arith.constant 0 : i32
        %dma_start3A_83 = tpu.memref_slice %arg8[%mul3A_51, %dma_start3A_82] : memref<40x128xi32, #tpu.memory_space<vmem>> -> memref<1x128xi32, #tpu.memory_space<vmem>>
        %dma_start3A_84 = tpu.memref_squeeze %dma_start3A_83 : memref<1x128xi32, #tpu.memory_space<vmem>> -> memref<128xi32, #tpu.memory_space<vmem>>
        %dma_start3A_85 = arith.constant 0 : i32
        %dma_start3A_86 = arith.constant 0 : i32
        %dma_start3A_87 = tpu.memref_slice %arg11[%dma_start3A_85, %dma_start3A_86] : memref<10240x128xf32, #tpu.memory_space<vmem_shared>> -> memref<10240x128xf32, #tpu.memory_space<vmem_shared>>
        tpu.enqueue_indirect_dma source(%arg9 : memref<128x128xf32, #tpu.memory_space<vmem>>) target(%dma_start3A_87 : memref<10240x128xf32, #tpu.memory_space<vmem_shared>>) offsets(%dma_start3A_84 : memref<128xi32, #tpu.memory_space<vmem>>) semaphore(%run_scoped3A_81 : memref<!tpu.dma_semaphore, #tpu.memory_space<semaphore_mem>>) {add = true}
        %dma_wait3A_88 = arith.constant 0 : i32
        %dma_wait3A_89 = tpu.memref_slice %arg8[%mul3A_51, %dma_wait3A_88] : memref<40x128xi32, #tpu.memory_space<vmem>> -> memref<1x128xi32, #tpu.memory_space<vmem>>
        %dma_wait3A_90 = tpu.memref_squeeze %dma_wait3A_89 : memref<1x128xi32, #tpu.memory_space<vmem>> -> memref<128xi32, #tpu.memory_space<vmem>>
        %dma_wait3A_91 = arith.constant 0 : i32
        %dma_wait3A_92 = arith.constant 0 : i32
        %dma_wait3A_93 = tpu.memref_slice %arg11[%dma_wait3A_91, %dma_wait3A_92] : memref<10240x128xf32, #tpu.memory_space<vmem_shared>> -> memref<10240x128xf32, #tpu.memory_space<vmem_shared>>
        tpu.wait_indirect_dma semaphore(%run_scoped3A_81 : memref<!tpu.dma_semaphore, #tpu.memory_space<semaphore_mem>>) src(%arg9 : memref<128x128xf32, #tpu.memory_space<vmem>>) dst(%dma_wait3A_93 : memref<10240x128xf32, #tpu.memory_space<vmem_shared>>)
        tpu.yield
      }) : () -> ()
      %add3A_65 = arith.constant 2 : i32
      %add3A_66 = arith.addi %mul3A_51, %add3A_65 : i32
      %lt3A = arith.constant 40 : i32
      %lt3A_67 = arith.cmpi slt, %add3A_66, %lt3A : i32
      %convert_element_type3A_68 = arith.extui %lt3A_67 : i1 to i32
      %cond3A_69 = arith.constant 0 : i32
      %cond3A_70 = arith.cmpi ne, %convert_element_type3A_68, %cond3A_69 : i32
      scf.if %cond3A_70 {
        %add3A_81 = arith.constant 2 : i32
        %add3A_82 = arith.addi %mul3A_51, %add3A_81 : i32
        %dma_start3A_83 = arith.constant 0 : i32
        %dma_start3A_84 = tpu.memref_slice %arg7[%add3A_82, %dma_start3A_83] : memref<40x128xi32, #tpu.memory_space<vmem>> -> memref<1x128xi32, #tpu.memory_space<vmem>>
        %dma_start3A_85 = tpu.memref_squeeze %dma_start3A_84 : memref<1x128xi32, #tpu.memory_space<vmem>> -> memref<128xi32, #tpu.memory_space<vmem>>
        %dma_start3A_86 = arith.constant 0 : i32
        %dma_start3A_87 = arith.constant 0 : i32
        %dma_start3A_88 = tpu.memref_slice %arg2[%dma_start3A_86, %dma_start3A_87] : memref<10000x128xf32, #tpu.memory_space<hbm>> -> memref<10000x128xf32, #tpu.memory_space<hbm>>
        tpu.enqueue_indirect_dma source(%dma_start3A_88 : memref<10000x128xf32, #tpu.memory_space<hbm>>) target(%arg9 : memref<128x128xf32, #tpu.memory_space<vmem>>) offsets(%dma_start3A_85 : memref<128xi32, #tpu.memory_space<vmem>>) semaphore(%arg12 : memref<!tpu.dma_semaphore, #tpu.memory_space<semaphore_mem>>)
      } else {
      }
      %add3A_71 = arith.constant 1 : i32
      %add3A_72 = arith.addi %mul3A_51, %add3A_71 : i32
      %dma_wait3A_73 = arith.constant 0 : i32
      %dma_wait3A_74 = tpu.memref_slice %arg7[%add3A_72, %dma_wait3A_73] : memref<40x128xi32, #tpu.memory_space<vmem>> -> memref<1x128xi32, #tpu.memory_space<vmem>>
      %dma_wait3A_75 = tpu.memref_squeeze %dma_wait3A_74 : memref<1x128xi32, #tpu.memory_space<vmem>> -> memref<128xi32, #tpu.memory_space<vmem>>
      %dma_wait3A_76 = arith.constant 0 : i32
      %dma_wait3A_77 = arith.constant 0 : i32
      %dma_wait3A_78 = tpu.memref_slice %arg2[%dma_wait3A_76, %dma_wait3A_77] : memref<10000x128xf32, #tpu.memory_space<hbm>> -> memref<10000x128xf32, #tpu.memory_space<hbm>>
      tpu.wait_indirect_dma semaphore(%arg13 : memref<!tpu.dma_semaphore, #tpu.memory_space<semaphore_mem>>) src(%dma_wait3A_78 : memref<10000x128xf32, #tpu.memory_space<hbm>>) dst(%arg10 : memref<128x128xf32, #tpu.memory_space<vmem>>)
      %add3A_79 = arith.constant 1 : i32
      %add3A_80 = arith.addi %mul3A_51, %add3A_79 : i32
      "tpu.region"() ({
        %run_scoped3A_81 = tpu.sem_alloc : memref<!tpu.dma_semaphore, #tpu.memory_space<semaphore_mem>>
        %dma_start3A_82 = arith.constant 0 : i32
        %dma_start3A_83 = tpu.memref_slice %arg8[%add3A_80, %dma_start3A_82] : memref<40x128xi32, #tpu.memory_space<vmem>> -> memref<1x128xi32, #tpu.memory_space<vmem>>
        %dma_start3A_84 = tpu.memref_squeeze %dma_start3A_83 : memref<1x128xi32, #tpu.memory_space<vmem>> -> memref<128xi32, #tpu.memory_space<vmem>>
        %dma_start3A_85 = arith.constant 0 : i32
        %dma_start3A_86 = arith.constant 0 : i32
        %dma_start3A_87 = tpu.memref_slice %arg11[%dma_start3A_85, %dma_start3A_86] : memref<10240x128xf32, #tpu.memory_space<vmem_shared>> -> memref<10240x128xf32, #tpu.memory_space<vmem_shared>>
        tpu.enqueue_indirect_dma source(%arg10 : memref<128x128xf32, #tpu.memory_space<vmem>>) target(%dma_start3A_87 : memref<10240x128xf32, #tpu.memory_space<vmem_shared>>) offsets(%dma_start3A_84 : memref<128xi32, #tpu.memory_space<vmem>>) semaphore(%run_scoped3A_81 : memref<!tpu.dma_semaphore, #tpu.memory_space<semaphore_mem>>) {add = true}
        %dma_wait3A_88 = arith.constant 0 : i32
        %dma_wait3A_89 = tpu.memref_slice %arg8[%add3A_80, %dma_wait3A_88] : memref<40x128xi32, #tpu.memory_space<vmem>> -> memref<1x128xi32, #tpu.memory_space<vmem>>
        %dma_wait3A_90 = tpu.memref_squeeze %dma_wait3A_89 : memref<1x128xi32, #tpu.memory_space<vmem>> -> memref<128xi32, #tpu.memory_space<vmem>>
        %dma_wait3A_91 = arith.constant 0 : i32
        %dma_wait3A_92 = arith.constant 0 : i32
        %dma_wait3A_93 = tpu.memref_slice %arg11[%dma_wait3A_91, %dma_wait3A_92] : memref<10240x128xf32, #tpu.memory_space<vmem_shared>> -> memref<10240x128xf32, #tpu.memory_space<vmem_shared>>
        tpu.wait_indirect_dma semaphore(%run_scoped3A_81 : memref<!tpu.dma_semaphore, #tpu.memory_space<semaphore_mem>>) src(%arg10 : memref<128x128xf32, #tpu.memory_space<vmem>>) dst(%dma_wait3A_93 : memref<10240x128xf32, #tpu.memory_space<vmem_shared>>)
        tpu.yield
      }) : () -> ()
    }
    %scan3A_41 = arith.constant 20 : i32
    %barrier3A_42 = arith.constant 0 : index
    tpu.barrier barrier_id(%barrier3A_42)
    %scan3A_43 = arith.constant 0 : i32
    %scan3A_44 = arith.constant 0 : i32
    %scan3A_45 = arith.constant 5 : i32
    %scan3A_46 = arith.addi %scan3A_44, %scan3A_45 : i32
    %scan3A_47 = arith.constant 1 : i32
    scf.for %scan3A_49 = %scan3A_44 to %scan3A_46 step %scan3A_47  : i32 {
      %mul3A_50 = arith.constant 640 : i32
      %mul3A_51 = arith.muli %arg1, %mul3A_50 : i32
      %mul3A_52 = arith.constant 128 : i32
      %mul3A_53 = arith.muli %scan3A_49, %mul3A_52 : i32
      %add3A_54 = arith.addi %mul3A_51, %mul3A_53 : i32
      "tpu.region"() ({
        %run_scoped3A_55 = tpu.sem_alloc : memref<!tpu.dma_semaphore, #tpu.memory_space<semaphore_mem>>
        %dma_start3A_56 = arith.constant 0 : i32
        %dma_start3A_57 = tpu.memref_slice %arg11[%add3A_54, %dma_start3A_56] : memref<10240x128xf32, #tpu.memory_space<vmem_shared>> -> memref<128x128xf32, #tpu.memory_space<vmem_shared>>
        %dma_start3A_58 = arith.constant 0 : i32
        %dma_start3A_59 = tpu.memref_slice %arg11[%add3A_54, %dma_start3A_58] : memref<10240x128xf32, #tpu.memory_space<vmem_shared>> -> memref<128x128xf32, #tpu.memory_space<vmem_shared>>
        tpu.enqueue_dma source(%dma_start3A_59 : memref<128x128xf32, #tpu.memory_space<vmem_shared>>) target(%arg9 : memref<128x128xf32, #tpu.memory_space<vmem>>) target_semaphore(%run_scoped3A_55 : memref<!tpu.dma_semaphore, #tpu.memory_space<semaphore_mem>>)
        %dma_wait3A = arith.constant 0 : i32
        %dma_wait3A_60 = tpu.memref_slice %arg11[%add3A_54, %dma_wait3A] : memref<10240x128xf32, #tpu.memory_space<vmem_shared>> -> memref<128x128xf32, #tpu.memory_space<vmem_shared>>
        %dma_wait3A_61 = arith.constant 0 : i32
        %dma_wait3A_62 = tpu.memref_slice %arg11[%add3A_54, %dma_wait3A_61] : memref<10240x128xf32, #tpu.memory_space<vmem_shared>> -> memref<128x128xf32, #tpu.memory_space<vmem_shared>>
        tpu.wait_dma2 semaphore(%run_scoped3A_55 : memref<!tpu.dma_semaphore, #tpu.memory_space<semaphore_mem>>) src(%dma_wait3A_62 : memref<128x128xf32, #tpu.memory_space<vmem_shared>>) dst(%arg9 : memref<128x128xf32, #tpu.memory_space<vmem>>)
        tpu.yield
      }) : () -> ()
      "tpu.region"() ({
        %run_scoped3A_55 = tpu.sem_alloc : memref<!tpu.dma_semaphore, #tpu.memory_space<semaphore_mem>>
        %dma_start3A_56 = arith.constant 0 : i32
        %dma_start3A_57 = tpu.memref_slice %arg6[%arg0, %add3A_54, %dma_start3A_56] : memref<2x10240x128xf32, #tpu.memory_space<hbm>> -> memref<1x128x128xf32, #tpu.memory_space<hbm>>
        %dma_start3A_58 = tpu.memref_squeeze %dma_start3A_57 : memref<1x128x128xf32, #tpu.memory_space<hbm>> -> memref<128x128xf32, #tpu.memory_space<hbm>>
        %dma_start3A_59 = arith.constant 0 : i32
        %dma_start3A_60 = tpu.memref_slice %arg6[%arg0, %add3A_54, %dma_start3A_59] : memref<2x10240x128xf32, #tpu.memory_space<hbm>> -> memref<1x128x128xf32, #tpu.memory_space<hbm>>
        %dma_start3A_61 = tpu.memref_squeeze %dma_start3A_60 : memref<1x128x128xf32, #tpu.memory_space<hbm>> -> memref<128x128xf32, #tpu.memory_space<hbm>>
        tpu.enqueue_dma source(%arg9 : memref<128x128xf32, #tpu.memory_space<vmem>>) target(%dma_start3A_61 : memref<128x128xf32, #tpu.memory_space<hbm>>) target_semaphore(%run_scoped3A_55 : memref<!tpu.dma_semaphore, #tpu.memory_space<semaphore_mem>>)
        %dma_wait3A = arith.constant 0 : i32
        %dma_wait3A_62 = tpu.memref_slice %arg6[%arg0, %add3A_54, %dma_wait3A] : memref<2x10240x128xf32, #tpu.memory_space<hbm>> -> memref<1x128x128xf32, #tpu.memory_space<hbm>>
        %dma_wait3A_63 = tpu.memref_squeeze %dma_wait3A_62 : memref<1x128x128xf32, #tpu.memory_space<hbm>> -> memref<128x128xf32, #tpu.memory_space<hbm>>
        %dma_wait3A_64 = arith.constant 0 : i32
        %dma_wait3A_65 = tpu.memref_slice %arg6[%arg0, %add3A_54, %dma_wait3A_64] : memref<2x10240x128xf32, #tpu.memory_space<hbm>> -> memref<1x128x128xf32, #tpu.memory_space<hbm>>
        %dma_wait3A_66 = tpu.memref_squeeze %dma_wait3A_65 : memref<1x128x128xf32, #tpu.memory_space<hbm>> -> memref<128x128xf32, #tpu.memory_space<hbm>>
        tpu.wait_dma2 semaphore(%run_scoped3A_55 : memref<!tpu.dma_semaphore, #tpu.memory_space<semaphore_mem>>) src(%arg9 : memref<128x128xf32, #tpu.memory_space<vmem>>) dst(%dma_wait3A_66 : memref<128x128xf32, #tpu.memory_space<hbm>>)
        tpu.yield
      }) : () -> ()
    }
    %scan3A_48 = arith.constant 5 : i32
    return
  }
}

module attributes {stable_mosaic.version = 14 : i64} {
  func.func @_mlp1_body(%arg0: i32, %arg1: memref<2x1000x128xf32, #tpu.memory_space<vmem>>, %arg2: memref<128x128xf32, #tpu.memory_space<vmem>>, %arg3: memref<1x128xf32, #tpu.memory_space<vmem>>, %arg4: memref<1x128xf32, #tpu.memory_space<vmem>>, %arg5: memref<1x128xf32, #tpu.memory_space<vmem>>, %arg6: memref<1x128xf32, #tpu.memory_space<vmem>>, %arg7: memref<128x128xf32, #tpu.memory_space<vmem>>, %arg8: memref<1000x128xf32, #tpu.memory_space<vmem>>) attributes {dimension_semantics = [#tpu.dimension_semantics<arbitrary>], iteration_bounds = array<i64: 10>, scalar_prefetch = 0 : i64, scratch_operands = 0 : i64, tpu.core_type = #tpu.core_type<tc>, window_params = [{transform_indices = @transform_0, window_bounds = array<i64: 2, 1000, 128>}, {pipeline_mode = #tpu.pipeline_mode<synchronous>, transform_indices = @transform_1, window_bounds = array<i64: 128, 128>}, {pipeline_mode = #tpu.pipeline_mode<synchronous>, transform_indices = @transform_2, window_bounds = array<i64: 1, 128>}, {pipeline_mode = #tpu.pipeline_mode<synchronous>, transform_indices = @transform_3, window_bounds = array<i64: 1, 128>}, {pipeline_mode = #tpu.pipeline_mode<synchronous>, transform_indices = @transform_4, window_bounds = array<i64: 1, 128>}, {pipeline_mode = #tpu.pipeline_mode<synchronous>, transform_indices = @transform_5, window_bounds = array<i64: 1, 128>}, {pipeline_mode = #tpu.pipeline_mode<synchronous>, transform_indices = @transform_6, window_bounds = array<i64: 128, 128>}, {transform_indices = @transform_7, window_bounds = array<i64: 1000, 128>}]} {
    %get3A = arith.constant 0 : index
    %get3A_0 = arith.constant 0 : index
    %get3A_1 = arith.constant 0 : index
    %get3A_2 = vector.load %arg1[%get3A, %get3A_0, %get3A_1] : memref<2x1000x128xf32, #tpu.memory_space<vmem>>, vector<1x1000x128xf32>
    %get3A_3 = vector.shape_cast %get3A_2 : vector<1x1000x128xf32> to vector<1000x128xf32>
    %get3A_4 = arith.constant 1 : index
    %get3A_5 = arith.constant 0 : index
    %get3A_6 = arith.constant 0 : index
    %get3A_7 = vector.load %arg1[%get3A_4, %get3A_5, %get3A_6] : memref<2x1000x128xf32, #tpu.memory_space<vmem>>, vector<1x1000x128xf32>
    %get3A_8 = vector.shape_cast %get3A_7 : vector<1x1000x128xf32> to vector<1000x128xf32>
    %add3A = arith.addf %get3A_3, %get3A_8 : vector<1000x128xf32>
    %get3A_9 = arith.constant 0 : index
    %get3A_10 = arith.constant 0 : index
    %get3A_11 = vector.load %arg2[%get3A_9, %get3A_10] : memref<128x128xf32, #tpu.memory_space<vmem>>, vector<128x128xf32>
    %dot_general3A = arith.constant dense<0.000000e+00> : vector<1000x128xf32>
    %dot_general3A_12 = tpu.matmul %add3A, %get3A_11, %dot_general3A {dimension_numbers = #tpu.dot_dimension_numbers<[1], [0], [0], [1], [0, 0, 1, 1], [], []>, transpose_lhs_hint = false} : vector<1000x128xf32>, vector<128x128xf32>, vector<1000x128xf32> -> vector<1000x128xf32>
    %get3A_13 = arith.constant 0 : index
    %get3A_14 = arith.constant 0 : index
    %get3A_15 = vector.load %arg6[%get3A_13, %get3A_14] : memref<1x128xf32, #tpu.memory_space<vmem>>, vector<1x128xf32>
    %add3A_16 = arith.constant 9.99999974E-6 : f32
    %add3A_17 = vector.broadcast %add3A_16 : f32 to vector<1x128xf32>
    %add3A_18 = arith.addf %get3A_15, %add3A_17 : vector<1x128xf32>
    %rsqrt3A = math.rsqrt %add3A_18 : vector<1x128xf32>
    %get3A_19 = arith.constant 0 : index
    %get3A_20 = arith.constant 0 : index
    %get3A_21 = vector.load %arg5[%get3A_19, %get3A_20] : memref<1x128xf32, #tpu.memory_space<vmem>>, vector<1x128xf32>
    %sub3A = vector.broadcast %get3A_21 : vector<1x128xf32> to vector<1000x128xf32>
    %sub3A_22 = arith.subf %dot_general3A_12, %sub3A : vector<1000x128xf32>
    %mul3A = vector.broadcast %rsqrt3A : vector<1x128xf32> to vector<1000x128xf32>
    %mul3A_23 = arith.mulf %sub3A_22, %mul3A : vector<1000x128xf32>
    %get3A_24 = arith.constant 0 : index
    %get3A_25 = arith.constant 0 : index
    %get3A_26 = vector.load %arg3[%get3A_24, %get3A_25] : memref<1x128xf32, #tpu.memory_space<vmem>>, vector<1x128xf32>
    %mul3A_27 = vector.broadcast %get3A_26 : vector<1x128xf32> to vector<1000x128xf32>
    %mul3A_28 = arith.mulf %mul3A_23, %mul3A_27 : vector<1000x128xf32>
    %get3A_29 = arith.constant 0 : index
    %get3A_30 = arith.constant 0 : index
    %get3A_31 = vector.load %arg4[%get3A_29, %get3A_30] : memref<1x128xf32, #tpu.memory_space<vmem>>, vector<1x128xf32>
    %add3A_32 = vector.broadcast %get3A_31 : vector<1x128xf32> to vector<1000x128xf32>
    %add3A_33 = arith.addf %mul3A_28, %add3A_32 : vector<1000x128xf32>
    %max3A = arith.constant 0.000000e+00 : f32
    %max3A_34 = vector.broadcast %max3A : f32 to vector<1000x128xf32>
    %max3A_35 = arith.maximumf %add3A_33, %max3A_34 : vector<1000x128xf32>
    %get3A_36 = arith.constant 0 : index
    %get3A_37 = arith.constant 0 : index
    %get3A_38 = vector.load %arg7[%get3A_36, %get3A_37] : memref<128x128xf32, #tpu.memory_space<vmem>>, vector<128x128xf32>
    %dot_general3A_39 = arith.constant dense<0.000000e+00> : vector<1000x128xf32>
    %dot_general3A_40 = tpu.matmul %max3A_35, %get3A_38, %dot_general3A_39 {dimension_numbers = #tpu.dot_dimension_numbers<[1], [0], [0], [1], [0, 0, 1, 1], [], []>, transpose_lhs_hint = false} : vector<1000x128xf32>, vector<128x128xf32>, vector<1000x128xf32> -> vector<1000x128xf32>
    %max3A_41 = arith.constant 0.000000e+00 : f32
    %max3A_42 = vector.broadcast %max3A_41 : f32 to vector<1000x128xf32>
    %max3A_43 = arith.maximumf %dot_general3A_40, %max3A_42 : vector<1000x128xf32>
    %swap3A = arith.constant 0 : index
    %swap3A_44 = arith.constant 0 : index
    %swap3A_45 = vector.load %arg8[%swap3A, %swap3A_44] : memref<1000x128xf32, #tpu.memory_space<vmem>>, vector<1000x128xf32>
    tpu.vector_store %arg8[%swap3A, %swap3A_44], %max3A_43 {strides = array<i32>} : memref<1000x128xf32, #tpu.memory_space<vmem>>, vector<1000x128xf32>,
    return
  }
  func.func @transform_0(%arg0: i32) -> (i32, i32, i32) {
    %c0_i32 = arith.constant 0 : i32
    %c0_i32_0 = arith.constant 0 : i32
    %c0_i32_1 = arith.constant 0 : i32
    return %c0_i32, %arg0, %c0_i32_0 : i32, i32, i32
  }
  func.func @transform_1(%arg0: i32) -> (i32, i32) {
    %c0_i32 = arith.constant 0 : i32
    %c0_i32_0 = arith.constant 0 : i32
    %c0_i32_1 = arith.constant 0 : i32
    return %c0_i32, %c0_i32_0 : i32, i32
  }
  func.func @transform_2(%arg0: i32) -> (i32, i32) {
    %c0_i32 = arith.constant 0 : i32
    %c0_i32_0 = arith.constant 0 : i32
    %c0_i32_1 = arith.constant 0 : i32
    return %c0_i32, %c0_i32_0 : i32, i32
  }
  func.func @transform_3(%arg0: i32) -> (i32, i32) {
    %c0_i32 = arith.constant 0 : i32
    %c0_i32_0 = arith.constant 0 : i32
    %c0_i32_1 = arith.constant 0 : i32
    return %c0_i32, %c0_i32_0 : i32, i32
  }
  func.func @transform_4(%arg0: i32) -> (i32, i32) {
    %c0_i32 = arith.constant 0 : i32
    %c0_i32_0 = arith.constant 0 : i32
    %c0_i32_1 = arith.constant 0 : i32
    return %c0_i32, %c0_i32_0 : i32, i32
  }
  func.func @transform_5(%arg0: i32) -> (i32, i32) {
    %c0_i32 = arith.constant 0 : i32
    %c0_i32_0 = arith.constant 0 : i32
    %c0_i32_1 = arith.constant 0 : i32
    return %c0_i32, %c0_i32_0 : i32, i32
  }
  func.func @transform_6(%arg0: i32) -> (i32, i32) {
    %c0_i32 = arith.constant 0 : i32
    %c0_i32_0 = arith.constant 0 : i32
    %c0_i32_1 = arith.constant 0 : i32
    return %c0_i32, %c0_i32_0 : i32, i32
  }
  func.func @transform_7(%arg0: i32) -> (i32, i32) {
    %c0_i32 = arith.constant 0 : i32
    %c0_i32_0 = arith.constant 0 : i32
    return %arg0, %c0_i32 : i32, i32
  }
}

module attributes {stable_mosaic.version = 14 : i64} {
  func.func @_mlp2_body(%arg0: i32, %arg1: memref<2x1000x128xf32, #tpu.memory_space<vmem>>, %arg2: memref<128x128xf32, #tpu.memory_space<vmem>>, %arg3: memref<128x64xf32, #tpu.memory_space<vmem>>, %arg4: memref<1000x64xf32, #tpu.memory_space<vmem>>) attributes {dimension_semantics = [#tpu.dimension_semantics<arbitrary>], iteration_bounds = array<i64: 10>, scalar_prefetch = 0 : i64, scratch_operands = 0 : i64, tpu.core_type = #tpu.core_type<tc>, window_params = [{transform_indices = @transform_0, window_bounds = array<i64: 2, 1000, 128>}, {pipeline_mode = #tpu.pipeline_mode<synchronous>, transform_indices = @transform_1, window_bounds = array<i64: 128, 128>}, {pipeline_mode = #tpu.pipeline_mode<synchronous>, transform_indices = @transform_2, window_bounds = array<i64: 128, 64>}, {transform_indices = @transform_3, window_bounds = array<i64: 1000, 64>}]} {
    %get3A = arith.constant 0 : index
    %get3A_0 = arith.constant 0 : index
    %get3A_1 = arith.constant 0 : index
    %get3A_2 = vector.load %arg1[%get3A, %get3A_0, %get3A_1] : memref<2x1000x128xf32, #tpu.memory_space<vmem>>, vector<1x1000x128xf32>
    %get3A_3 = vector.shape_cast %get3A_2 : vector<1x1000x128xf32> to vector<1000x128xf32>
    %get3A_4 = arith.constant 1 : index
    %get3A_5 = arith.constant 0 : index
    %get3A_6 = arith.constant 0 : index
    %get3A_7 = vector.load %arg1[%get3A_4, %get3A_5, %get3A_6] : memref<2x1000x128xf32, #tpu.memory_space<vmem>>, vector<1x1000x128xf32>
    %get3A_8 = vector.shape_cast %get3A_7 : vector<1x1000x128xf32> to vector<1000x128xf32>
    %add3A = arith.addf %get3A_3, %get3A_8 : vector<1000x128xf32>
    %get3A_9 = arith.constant 0 : index
    %get3A_10 = arith.constant 0 : index
    %get3A_11 = vector.load %arg2[%get3A_9, %get3A_10] : memref<128x128xf32, #tpu.memory_space<vmem>>, vector<128x128xf32>
    %dot_general3A = arith.constant dense<0.000000e+00> : vector<1000x128xf32>
    %dot_general3A_12 = tpu.matmul %add3A, %get3A_11, %dot_general3A {dimension_numbers = #tpu.dot_dimension_numbers<[1], [0], [0], [1], [0, 0, 1, 1], [], []>, transpose_lhs_hint = false} : vector<1000x128xf32>, vector<128x128xf32>, vector<1000x128xf32> -> vector<1000x128xf32>
    %max3A = arith.constant 0.000000e+00 : f32
    %max3A_13 = vector.broadcast %max3A : f32 to vector<1000x128xf32>
    %max3A_14 = arith.maximumf %dot_general3A_12, %max3A_13 : vector<1000x128xf32>
    %get3A_15 = arith.constant 0 : index
    %get3A_16 = arith.constant 0 : index
    %get3A_17 = vector.load %arg3[%get3A_15, %get3A_16] : memref<128x64xf32, #tpu.memory_space<vmem>>, vector<128x64xf32>
    %dot_general3A_18 = arith.constant dense<0.000000e+00> : vector<1000x64xf32>
    %dot_general3A_19 = tpu.matmul %max3A_14, %get3A_17, %dot_general3A_18 {dimension_numbers = #tpu.dot_dimension_numbers<[1], [0], [0], [1], [0, 0, 1, 1], [], []>, transpose_lhs_hint = false} : vector<1000x128xf32>, vector<128x64xf32>, vector<1000x64xf32> -> vector<1000x64xf32>
    %max3A_20 = arith.constant 0.000000e+00 : f32
    %max3A_21 = vector.broadcast %max3A_20 : f32 to vector<1000x64xf32>
    %max3A_22 = arith.maximumf %dot_general3A_19, %max3A_21 : vector<1000x64xf32>
    %swap3A = arith.constant 0 : index
    %swap3A_23 = arith.constant 0 : index
    %swap3A_24 = vector.load %arg4[%swap3A, %swap3A_23] : memref<1000x64xf32, #tpu.memory_space<vmem>>, vector<1000x64xf32>
    tpu.vector_store %arg4[%swap3A, %swap3A_23], %max3A_22 {strides = array<i32>} : memref<1000x64xf32, #tpu.memory_space<vmem>>, vector<1000x64xf32>,
    return
  }
  func.func @transform_0(%arg0: i32) -> (i32, i32, i32) {
    %c0_i32 = arith.constant 0 : i32
    %c0_i32_0 = arith.constant 0 : i32
    %c0_i32_1 = arith.constant 0 : i32
    return %c0_i32, %arg0, %c0_i32_0 : i32, i32, i32
  }
  func.func @transform_1(%arg0: i32) -> (i32, i32) {
    %c0_i32 = arith.constant 0 : i32
    %c0_i32_0 = arith.constant 0 : i32
    %c0_i32_1 = arith.constant 0 : i32
    return %c0_i32, %c0_i32_0 : i32, i32
  }
  func.func @transform_2(%arg0: i32) -> (i32, i32) {
    %c0_i32 = arith.constant 0 : i32
    %c0_i32_0 = arith.constant 0 : i32
    %c0_i32_1 = arith.constant 0 : i32
    return %c0_i32, %c0_i32_0 : i32, i32
  }
  func.func @transform_3(%arg0: i32) -> (i32, i32) {
    %c0_i32 = arith.constant 0 : i32
    %c0_i32_0 = arith.constant 0 : i32
    return %arg0, %c0_i32 : i32, i32
  }
}

</mosaic_0001>

<sc_bundles>
// kernel: kernel.6.cloned.1.call-start
scs
__scs_entry_jumppad:
0x0: {  	(pc) =	sbr.rel $0x88, $3  }
0x1: {  	(tag) =	ssettag $0x0;
	lr =	simm.s32 $0x1  }
0x2: {  	[smem:$0x3F97] =	sst lr;
	_ =	strace $0xD0000000  }
0x3: {  	_ = 	snop  }
0x4: {  	_ = 	snop  }
0x5: {  	_ = 	snop  }
0x6: {  	_ = 	snop  }
0x7: {  	_ = 	snop  }
__scs_overlays_trampoline_lowered:
0x8: {  	[smem:$0x3FA6] =	sst s0  }
0x9: {  	[smem:$0x3FA7] =	sst s1  }
0xa: {  	[smem:$0x3FA8] =	sst s2  }
0xb: {  	[smem:$0x3FA9] =	sst s3  }
0xc: {  	[smem:$0x3FAA] =	sst s4  }
0xd: {  	[smem:$0x3FAB] =	sst s5  }
0xe: {  	[smem:$0x3FAC] =	sst s6  }
0xf: {  	[smem:$0x3FAD] =	sst s7  }
0x10: {  	[smem:$0x3FAE] =	sst s8  }
0x11: {  	[smem:$0x3FAF] =	sst s9;
	s0 =	simm.s32 @!p0 $0x0  }
0x12: {  	s1 =	sld [smem:$0x3F95];
	s0 =	simm.s32 @p0 $0x1  }
0x13: {  	[smem:$0x3FB0] =	sst s0;
	s0 =	simm.s32 @!p1 $0x0  }
0x14: {  	s2 =	sld [smem:$0x3F94];
	s0 =	simm.s32 @p1 $0x1  }
0x15: {  	[smem:$0x3FB1] =	sst s0;
	s0 =	simm.s32 @!p2 $0x0  }
0x16: {  	s3 =	sld [smem:$0x3FDB];
	s0 =	simm.s32 @p2 $0x1  }
0x17: {  	s4 =	simm.s32 $0x1BF5;
	[smem:$0x3FB3] =	sst s0  }
0x18: {  	s0 =	sld [smem:$0x3F96];
	_ =	swait.ge [sflag:s4], $0x0  }
0x19: {  	s7 =	sld [smem:$0x3F97]  }
0x1a: {  	s8 =	sadd.s32 $0xFFFFE003, lr  }
0x1b: {  	s9 =	sadd.s32 $0xFFFFFEF7, lr;
	s5 =	simm.s32 $0xFFFFFFFF;
	p2 =	slt.u32 s8, $0xFFFFF086  }
0x1c: {  	p1 =	slt.u32 s9, $0xF7A;
	s5 =	simm.s32 @!p2 $0x0  }
0x1d: {  	s5 =	simm.s32 @p1 $0x1;
	p0 =	seq.s32 s7, s2  }
0x1e: {  	s7 =	smul.u32 @!p0 $0xF7A, s2;
	p2 =	seq.s32 @!p0 s5, $0x0  }
0x1f: {  	s9 =	smul.u32 $0xF7A, s1;
	s8 =	simm.s32 @!p0 $0x1BF5;
	p2 =	por !p2, p0  }
0x20: {  	[sflag:s8] =	ssyncset.s32 @!p0 $0xFFFFF086;
	s6 =	sadd.s32 @!p0 s3, s7;
	s7 =	simm.s32 @!p0 $0x108  }
0x21: {  	s3 =	sadd.s32 s3, s9;
	s6 =	sadd.s32 @!p0 $0x88, s6;
	s7 =	simm.s32 @p2 $0x1082  }
0x22: {  	[simem:s7], [sflag:s8] =	dma.local @!p0 [hbm:s6], $0xF7A  }
0x23: {  	s9 =	sor.u32 $0xD0000000, s2;
	s6 =	simm.s32 $0x108;
	_ =	swait.ge @!p0 [sflag:s8], $0x0  }
0x24: {  	s3 =	sadd.s32 $0x88, s3;
	s6 =	simm.s32 @!p1 $0x1082;
	[sflag:s4] =	ssyncset.s32 $0xFFFFF086  }
0x25: {  	[simem:s6], [sflag:s4] =	dma.local [hbm:s3], $0xF7A  }
0x26: {  	[smem:$0x3F97] =	sst s1;
	(tag) =	ssettag s2;
	_ =	strace s9  }
0x27: {  	s1 =	sld [smem:$0x3FA7]  }
0x28: {  	s2 =	sld [smem:$0x3FA8]  }
0x29: {  	s4 =	sld [smem:$0x3FAA]  }
0x2a: {  	p0 =	seq.s32 s5, $0x0;
	s5 =	sld [smem:$0x3FAB]  }
0x2b: {  	s6 =	sld [smem:$0x3FAC]  }
0x2c: {  	s7 =	sld [smem:$0x3FAD]  }
0x2d: {  	s3 =	simm.s32 $0x108;
	s8 =	sld [smem:$0x3FAE]  }
0x2e: {  	s3 =	simm.s32 @!p0 $0x1082;
	s9 =	sld [smem:$0x3FAF]  }
0x2f: {  	lr =	sadd.s32 s0, s3;
	s0 =	sld [smem:$0x3FA6]  }
0x30: {  	s3 =	sld [smem:$0x3FA9]  }
0x31: {  	[smem:$0x3FB2] =	sst s10  }
0x32: {  	s10 =	sld [smem:$0x3FB0];
	_ =	sdelay $0x3  }
0x33: {  	p0 =	seq.s32 s10, $0x1;
	s10 =	sld [smem:$0x3FB2];
	_ =	sdelay $0x3  }
0x34: {  	[smem:$0x3FB2] =	sst s10  }
0x35: {  	s10 =	sld [smem:$0x3FB1];
	_ =	sdelay $0x3  }
0x36: {  	p1 =	seq.s32 s10, $0x1;
	s10 =	sld [smem:$0x3FB2];
	_ =	sdelay $0x3  }
0x37: {  	[smem:$0x3FB2] =	sst s10  }
0x38: {  	s10 =	sld [smem:$0x3FB3]  }
0x39: {  	_ = 	snop;
	(pc) =	sbr.ind lr, $3  }
0x3a: {  	_ = 	snop  }
0x3b: {  	_ = 	snop  }
0x3c: {  	p2 =	seq.s32 s10, $0x1;
	s10 =	sld [smem:$0x3FB2]  }
0x3d: {  	_ =	shalt  }
0x3e: {  	_ =	shalt  }
0x3f: {  	_ =	shalt  }
0x40: {  	_ =	shalt  }
0x41: {  	_ =	shalt  }
0x42: {  	_ =	shalt  }
0x43: {  	_ =	shalt  }
0x44: {  	_ =	shalt  }
0x45: {  	_ =	shalt  }
0x46: {  	_ =	shalt  }
0x47: {  	_ =	shalt  }
0x48: {  	_ =	shalt  }
0x49: {  	_ =	shalt  }
0x4a: {  	_ =	shalt  }
0x4b: {  	_ =	shalt  }
0x4c: {  	_ =	shalt  }
0x4d: {  	_ =	shalt  }
0x4e: {  	_ =	shalt  }
0x4f: {  	_ =	shalt  }
0x50: {  	_ =	shalt  }
0x51: {  	_ =	shalt  }
0x52: {  	_ =	shalt  }
0x53: {  	_ =	shalt  }
0x54: {  	_ =	shalt  }
0x55: {  	_ =	shalt  }
0x56: {  	_ =	shalt  }
0x57: {  	_ =	shalt  }
0x58: {  	_ =	shalt  }
0x59: {  	_ =	shalt  }
0x5a: {  	_ =	shalt  }
0x5b: {  	_ =	shalt  }
0x5c: {  	_ =	shalt  }
0x5d: {  	_ =	shalt  }
0x5e: {  	_ =	shalt  }
0x5f: {  	_ =	shalt  }
0x60: {  	_ =	shalt  }
0x61: {  	_ =	shalt  }
0x62: {  	_ =	shalt  }
0x63: {  	_ =	shalt  }
0x64: {  	_ =	shalt  }
0x65: {  	_ =	shalt  }
0x66: {  	_ =	shalt  }
0x67: {  	_ =	shalt  }
0x68: {  	_ =	shalt  }
0x69: {  	_ =	shalt  }
0x6a: {  	_ =	shalt  }
0x6b: {  	_ =	shalt  }
0x6c: {  	_ =	shalt  }
0x6d: {  	_ =	shalt  }
0x6e: {  	_ =	shalt  }
0x6f: {  	_ =	shalt  }
0x70: {  	_ =	shalt  }
0x71: {  	_ =	shalt  }
0x72: {  	_ =	shalt  }
0x73: {  	_ =	shalt  }
0x74: {  	_ =	shalt  }
0x75: {  	_ =	shalt  }
0x76: {  	_ =	shalt  }
0x77: {  	_ =	shalt  }
0x78: {  	_ =	shalt  }
0x79: {  	_ =	shalt  }
0x7a: {  	_ =	shalt  }
0x7b: {  	_ =	shalt  }
0x7c: {  	_ =	shalt  }
0x7d: {  	_ =	shalt  }
0x7e: {  	_ =	shalt  }
0x7f: {  	_ =	shalt  }
0x80: {  	_ =	shalt  }
0x81: {  	_ =	shalt  }
0x82: {  	_ =	shalt  }
0x83: {  	_ =	shalt  }
0x84: {  	_ =	shalt  }
0x85: {  	_ =	shalt  }
0x86: {  	_ =	shalt  }
0x87: {  	_ =	shalt  }
.Lfunc_end0:
.L_simem_size_0:
called_computation_lowered:
.L_overlay_start_0:
0x88: {  	s2 =	sld [smem:$0x3FD9]  }
0x89: {  	s3 =	sld [smem:$0x3FFE];
	_ =	sdelay $0x1  }
0x8a: {  	s1 =	srdreg.scid  }
0x8b: {  	s0 =	sand.u32 $0x1, s1  }
0x8c: {  	s17 =	sshll.u32 s0, $0xA;
	s2 =	sadd.s32 s3, s2  }
0x8d: {  	s2 =	sadd.s32 s2, s17  }
0x8e: {  	[smem:$0x3FBE] =	sst s2  }
0x8f: {  	_ = 	snop  }
0x90: {  	s2 =	sld [smem:$0x3FC9]  }
0x91: {  	s18 =	sld [smem:$0x3FD0];
	(tm) =	ssettm $0x1  }
0x92: {  	s4 =	sld [smem:$0x3FFB];
	_ =	sdelay $0x3  }
0x93: {  	_ =	strace s4  }
0x94: {  	s4 =	sld [smem:$0x3FFC];
	_ =	sdelay $0x3  }
0x95: {  	_ =	strace s4  }
0x96: {  	s4 =	sld [smem:$0x3FFD];
	_ =	sdelay $0x3  }
0x97: {  	_ =	strace s4  }
0x98: {  	_ =	strace $0x8FFFFFFF  }
0x99: {  	s19 =	sld [smem:$0x3FDB];
	_ =	sdelay $0x1  }
0x9a: {  	s5 =	simm.s32 $_scs_section_size  }
0x9b: {  	s6 =	simm.s32 $_size__tile_overlayer_lowered;
	s7 =	simm.s32 $_tile_overlayer_lowered  }
0x9c: {  	s22 =	simm.s32 $0x1BFF;
	s21 =	sshll.u32 s7, $0x1;
	s4 =	sadd.s32 s5, s19  }
0x9d: {  	s8 =	simm.s32 $0x0;
	s20 =	sshll.u32 s6, $0x1;
	s6 =	sadd.s32 s21, s4  }
0x9e: {  	[timem:s8], [sflag:s22] =	dma.local [hbm:s6], s20  }
0x9f: {  	_ =	swait.ge [sflag:s22], s20  }
0xa0: {  	s5 =	ssub.s32 $0x0, s20;
	[sflag:s22] =	ssyncset.done $0x0  }
0xa1: {  	[sflag:s22] =	ssyncadd.s32 s5;
	_ =	sdelay $0x1  }
0xa2: {  	s23 =	simm.s32 $0x1B8B  }
0xa3: {  	_ =	swait.ge [sflag:s23], $0x1  }
0xa4: {  	[sflag:s23] =	ssyncset.done $0x0  }
0xa5: {  	s25 =	simm.s32 $0x1B8E;
	s24 =	sld [smem:$0x3FFE];
	[sflag:s23] =	ssyncadd.s32 $0xFFFFFFFF  }
0xa6: {  	s26 =	simm.s32 $execute0_lowered;
	[smem:$0x3FD2] =	sst s25  }
0xa7: {  	s6 =	sshll.u32 s26, $0x1;
	_ =	strace $0x80000046;
	[dreg:$0x1] =	wrdreg $0xFFFFFFFF  }
0xa8: {  	s28 =	simm.s32 $_size_execute0_lowered;
	s4 =	sadd.s32 s4, s6;
	[dreg:$0x0] =	wrdreg $0x0  }
0xa9: {  	s6 =	sshll.u32 s28, $0x1;
	[dreg:$0x2] =	wrdreg s4  }
0xaa: {  	[dreg:$0x3] =	wrdreg s6  }
0xab: {  	[dreg:$0x4] =	wrdreg $0xC0  }
0xac: {  	_ =	task [dreg:s8], $0x5FFFF  }
0xad: {  	[dreg:$0x1] =	wrdreg $0xFFFFFFFF  }
0xae: {  	[dreg:$0x0] =	wrdreg $0x60  }
0xaf: {  	[dreg:$0x2] =	wrdreg s2  }
0xb0: {  	[dreg:$0x3] =	wrdreg s18  }
0xb1: {  	[dreg:$0x4] =	wrdreg s24  }
0xb2: {  	[dreg:$0x5] =	wrdreg $0xA8000  }
0xb3: {  	[dreg:$0x6] =	wrdreg $0x9  }
0xb4: {  	_ =	task.clear_ibuf [dreg:s8], $0x7FFFF;
	_ =	strace $0x90000046  }
0xb5: {  	s29 =	simm.s32 $0x9;
	_ =	strace $0x80000048  }
0xb6: {  	_ =	swait.ge [sflag:s29], $0x1  }
0xb7: {  	[sflag:s29] =	ssyncadd.s32 $0xFFFFFFFF  }
0xb8: {  	_ =	strace $0x90000048  }
0xb9: {  	_ =	sfence  }
0xba: {  	s30 =	sld [smem:$0x0];
	_ =	sdelay $0x2  }
0xbb: {  	s31 =	sshll.u32 s1, $0xD;
	s1 =	sshrl.u32 s1, $0x2  }
0xbc: {  	s3 =	sand.u32 $0x4000, s31;
	s1 =	sadd.s32 s1, s30  }
0xbd: {  	s0 =	sor.u32 s3, s0;
	s1 =	sshll.u32 s1, $0x11  }
0xbe: {  	s0 =	sor.u32 s1, s0  }
0xbf: {  	s0 =	sadd.s32 $0x8F2B, s0  }
0xc0: {  	[sflag:s0] =	ssyncadd.remote.s32 $0x1  }
0xc1: {  	_ =	sfence.sel $0xFFFF  }
0xc2: {  	[dreg:$0x0] =	wrdreg $0xFFFFFFFF;
	(pc) =	sbr.abs _section_cstart, $3  }
0xc3: {  	[dreg:$0x1] =	wrdreg $0xFFFFFFFF  }
0xc4: {  	_ =	task.clear_ibuf [dreg:s8], $0x2FFFF;
	_ =	strace $0x9FFFFFFF  }
0xc5: {  	(tm) =	ssettm $0x7FFFFFFF  }
tec
execute0_lowered:
.L_overlay_start_1:
0x0: {  	(tag) =	ssettag $0x1  }
0x1: {  	s1 =	rddreg [dreg:$0x0]  }
0x2: {  	s0 =	rddreg [dreg:$0x1]  }
0x3: {  	s5 =	rddreg [dreg:$0x2]  }
0x4: {  	s2 =	rddreg [dreg:$0x3]  }
0x5: {  	s3 =	simm.s32 $0x0;
	s6 =	srdreg.scid;
	s4 =	stileid.u32  }
0x6: {  	s28 =	simm.s32 $0x3;
	s29 =	simm.s32 $0x1400;
	s9 =	smul.u32 $0x50000, s4  }
0x7: {  	s30 =	simm.s32 $0x80;
	s31 =	simm.s32 $0x2800;
	s12 =	smul.u32 $0x2800, s4  }
0x8: {  	[smem:$0x7FF] =	sst s3;
	s7 =	sadd.s32 $0x1800, s5;
	s13 =	smul.u32 $0x4E000, s4  }
0x9: {  	s14 =	sadd.s32 $0xB800, s5;
	s8 =	sand.u32 $0x1, s6;
	s25 =	smul.u32 $0x2700, s4  }
0xa: {  	s5 =	sadd.s32 $0x33800, s5;
	s11 =	sshll.u32 s4, $0x1;
	s26 =	smul.u32 $0x14000, s4  }
0xb: {  	_ =	strace $0x80000047;
	s6 =	ssub.s32 $0x2, s8;
	s11 =	sor.u32 s8, s11  }
0xc: {  	[dreg:$0x5] =	wrdreg s14;
	s15 =	smul.u32 $0x140000, s8;
	p0 =	sne.s32 s8, $0x0  }
0xd: {  	s8 =	simm.s32 $0x1380;
	s10 =	sshrl.u32 s6, $0x1;
	s9 =	sshrl.u32 s9, $0x2  }
0xe: {  	s22 =	smul.u32 $0x2800, s11;
	s23 =	sadd.s32 s14, s12;
	s24 =	sshrl.u32 s13, $0x2  }
0xf: {  	s12 =	sadd.s32 s1, s25;
	s19 =	sadd.s32 $0x4000, s26;
	s25 =	sadd.s32 $0xC000, s26  }
0x10: {  	s13 =	sadd.s32 $0x10000, s26;
	p1 =	sne.s32 @!p0 s4, $0xF;
	s10 =	ssub.s32 s6, s10  }
0x11: {  	s6 =	sadd.s32 s9, s2;
	[dreg:$0x6] =	wrdreg s23;
	s11 =	sadd.s32 s24, s2  }
0x12: {  	[dreg:$0x7] =	wrdreg s12;
	s18 =	sadd.s32 s15, s26;
	s20 =	sadd.s32 s15, s19  }
0x13: {  	s23 =	sadd.s32 $0x8000, s26;
	s16 =	sadd.s32 s15, s25;
	s12 =	sadd.s32 s15, s13  }
0x14: {  	s19 =	sadd.s32 s19, s2;
	p1 =	por p1, p0;
	s9 =	sshrl.u32 s22, $0x3  }
0x15: {  	s21 =	sshrl.u32 s20, $0x3;
	s24 =	sadd.s32 s15, s23;
	s26 =	sshrl.u32 s16, $0x3  }
0x16: {  	s12 =	sshrl.u32 s12, $0x3;
	s20 =	sadd.s32 s23, s2;
	s23 =	sshrl.u32 @!p0 s11, $0x3  }
0x17: {  	s11 =	simm.s32 $0x0;
	s14 =	sadd.s32 s0, s9;
	s17 =	sadd.s32 s7, s9  }
0x18: {  	s9 =	sadd.s32 $0x280, s9;
	s22 =	sadd.s32 s5, s21;
	s16 =	sadd.s32 s5, s26  }
0x19: {  	s21 =	sadd.s32 s25, s2;
	s26 =	sadd.s32 $0x27000, s1;
	[dreg:$0x8] =	wrdreg s14  }
0x1a: {  	[dreg:$0x9] =	wrdreg s17;
	s0 =	sadd.s32 s0, s9;
	s7 =	sadd.s32 s7, s9  }
0x1b: {  	[dreg:$0xd] =	wrdreg s22;
	s17 =	sadd.s32 s5, s12;
	s22 =	sadd.s32 s13, s2  }
0x1c: {  	s9 =	simm.s32 $0x2700;
	[dreg:$0xa] =	wrdreg s0;
	s0 =	sshrl.u32 s18, $0x3  }
0x1d: {  	[dreg:$0xb] =	wrdreg s7;
	s7 =	sshrl.u32 s24, $0x3;
	s0 =	sadd.s32 s5, s0  }
0x1e: {  	s18 =	smax.u32 s10, $0x1;
	s7 =	sadd.s32 s5, s7;
	[dreg:$0xc] =	wrdreg s0  }
0x1f: {  	s10 =	simm.s32 $0x2780;
	s5 =	sadd.s32 $0x138000, s2;
	[dreg:$0xe] =	wrdreg s7  }
0x20: {  	s7 =	sadd.s32 $0x138800, s2;
	s24 =	sshrl.u32 @!p1 s5, $0x3;
	s0 =	simm.s32 $0x6800  }
0x21: {  	s5 =	simm.s32 $0x1;
	s25 =	sshrl.u32 @!p1 s7, $0x3;
	s7 =	simm.s32 $0x2  }
.LBB2_1:
0x22: {  	s4 =	stileid.u32  }
0x23: {  	s12 =	sshll.u32 @p0 s4, $0x6  }
0x24: {  	s13 =	sshrl.u32 @p0 s6, $0x3;
	s14 =	rddreg [dreg:$0x6];
	s12 =	sor.u32 @p0 $0x1C03, s12  }
0x25: {  	[spmem:s13], [sflag:s12] =	dma.local @p0 [hbm:s14], $0x2800  }
0x26: {  	s12 =	simm.s32 @p0 $0x3  }
0x27: {  	_ =	swait.ge @p0 [sflag:s12], $0x2800  }
0x28: {  	s13 =	sshll.u32 @!p0 s4, $0x6;
	[sflag:s12] =	ssyncset.done @p0 $0x0  }
0x29: {  	s4 =	rddreg [dreg:$0x7];
	[sflag:s12] =	ssyncadd.s32 @p0 $0xFFFFD800;
	s12 =	sor.u32 @!p0 $0x1C03, s13  }
0x2a: {  	[spmem:s23], [sflag:s12] =	dma.local @!p0 [hbm:s4], $0x2700  }
0x2b: {  	s12 =	simm.s32 @!p0 $0x3  }
0x2c: {  	_ =	swait.ge @!p0 [sflag:s12], $0x2700  }
0x2d: {  	[sflag:s12] =	ssyncset.done @!p0 $0x0  }
0x2e: {  	s13 =	simm.s32 @!p1 $0x3;
	[sflag:s12] =	ssyncadd.s32 @!p0 $0xFFFFD900;
	s12 =	simm.s32 @!p1 $0x1FC3  }
0x2f: {  	[spmem:s24], [sflag:s12] =	dma.local @!p1 [hbm:s26], $0x100  }
0x30: {  	_ =	swait.ge @!p1 [sflag:s13], $0x100  }
0x31: {  	[sflag:s13] =	ssyncset.done @!p1 $0x0  }
0x32: {  	s4 =	rddreg [dreg:$0x5];
	[sflag:s13] =	ssyncadd.s32 @!p1 $0xFFFFFF00  }
0x33: {  	[spmem:s25], [sflag:s12] =	dma.local @!p1 [hbm:s4], $0xF00  }
0x34: {  	_ =	swait.ge @!p1 [sflag:s13], $0xF00  }
0x35: {  	[sflag:s13] =	ssyncset.done @!p1 $0x0  }
0x36: {  	[sflag:s13] =	ssyncadd.s32 @!p1 $0xFFFFF100  }
0x37: {  	[bflag:$0x0] =	sbarrier.arrive $0xFFFF  }
0x38: {  	s14 =	rddreg [dreg:$0x8]  }
0x39: {  	[tilespmem:s3], [sflag:$0x3] =	stream.linear.gather [hbm4b:s14+s3], $0x1400, $0x38;
	[tilespmem:$0x1E800] =	vst v63  }
0x3a: {  	_ =	swait.ge [sflag:s28], $0x1400  }
0x3b: {  	[sflag:s28] =	ssyncset.done $0x0  }
0x3c: {  	s15 =	rddreg [dreg:$0x9];
	[sflag:s28] =	ssyncadd.s32 $0xFFFFEC00  }
0x3d: {  	[tilespmem:s29], [sflag:$0x3] =	stream.linear.gather [hbm4b:s15+s3], $0x1400, $0x38;
	[tilespmem:$0x1E800] =	vst v63  }
0x3e: {  	_ =	swait.ge [sflag:s28], $0x1400  }
0x3f: {  	[sflag:s28] =	ssyncset.done $0x0  }
0x40: {  	[sflag:s28] =	ssyncadd.s32 $0xFFFFEC00  }
0x41: {  	[tilespmem:s31], [sflag:$0x1] =	stream.indirect.gather [hbm4b:s1+s30], $0x80, s3, s30, $0xb8;
	[tilespmem:$0x1E800] =	vst v63  }
0x42: {  	s4 =	simm.s32 $0x80  }
0x43: {  	[tilespmem:s0], [sflag:$0x2] =	stream.indirect.gather [hbm4b:s1+s30], $0x80, s4, s30, $0xb8;
	[tilespmem:$0x1E800] =	vst v63  }
0x44: {  	_ =	swait.ge [sflag:s5], $0x4000  }
0x45: {  	[sflag:s5] =	ssyncset.done $0x0  }
0x46: {  	s13 =	simm.s32 $0x1400;
	[sflag:s5] =	ssyncadd.s32 $0xFFFFC000  }
0x47: {  	[spmem:s2] =	stream.indirect.scatter.add.f32 [tilespmem:s31], [sflag:$0x3], $0x80, s13, s30, $0xb8;
	[tilespmem:$0x1E800] =	vst v63  }
0x48: {  	_ =	swait.ge [sflag:s28], $0x4000  }
0x49: {  	[sflag:s28] =	ssyncset.done $0x0  }
0x4a: {  	s14 =	simm.s32 $0x100;
	[sflag:s28] =	ssyncadd.s32 $0xFFFFC000  }
0x4b: {  	[tilespmem:s31], [sflag:$0x1] =	stream.indirect.gather [hbm4b:s1+s30], $0x80, s14, s30, $0xb8;
	[tilespmem:$0x1E800] =	vst v63  }
0x4c: {  	_ =	swait.ge [sflag:s7], $0x4000  }
0x4d: {  	[sflag:s7] =	ssyncset.done $0x0  }
0x4e: {  	s15 =	simm.s32 $0x1480;
	[sflag:s7] =	ssyncadd.s32 $0xFFFFC000  }
0x4f: {  	[spmem:s2] =	stream.indirect.scatter.add.f32 [tilespmem:s0], [sflag:$0x3], $0x80, s15, s30, $0xb8;
	[tilespmem:$0x1E800] =	vst v63  }
0x50: {  	_ =	swait.ge [sflag:s28], $0x4000  }
0x51: {  	s12 =	simm.s32 $0x100;
	s13 =	simm.s32 $0x800;
	[sflag:s28] =	ssyncset.done $0x0  }
.LBB2_2:
0x52: {  	s14 =	sadd.s32 $0x80, s12  }
0x53: {  	[sflag:s28] =	ssyncadd.s32 $0xFFFFC000;
	s4 =	smov.u32 s13;
	s15 =	sadd.s32 $0x400, s13  }
0x54: {  	[tilespmem:s0], [sflag:$0x2] =	stream.indirect.gather [hbm4b:s1+s30], $0x80, s14, s30, $0xb8;
	[tilespmem:$0x1E800] =	vst v63  }
0x55: {  	p2 =	sne.s32 s13, $0x4800;
	_ =	swait.ge [sflag:s5], $0x4000  }
0x56: {  	[sflag:s5] =	ssyncset.done $0x0  }
0x57: {  	s13 =	sadd.s32 $0x1400, s12;
	[sflag:s5] =	ssyncadd.s32 $0xFFFFC000  }
0x58: {  	[spmem:s2] =	stream.indirect.scatter.add.f32 [tilespmem:s31], [sflag:$0x3], $0x80, s13, s30, $0xb8;
	[tilespmem:$0x1E800] =	vst v63  }
0x59: {  	_ =	swait.ge [sflag:s28], $0x4000  }
0x5a: {  	[sflag:s28] =	ssyncset.done $0x0  }
0x5b: {  	s13 =	sadd.s32 $0x100, s12;
	[sflag:s28] =	ssyncadd.s32 $0xFFFFC000  }
0x5c: {  	[tilespmem:s31], [sflag:$0x1] =	stream.indirect.gather [hbm4b:s1+s30], $0x80, s13, s30, $0xb8;
	[tilespmem:$0x1E800] =	vst v63  }
0x5d: {  	_ =	swait.ge [sflag:s7], $0x4000  }
.Ltmp0:
0x5e: {  	[sflag:s7] =	ssyncset.done $0x0;
	(pc) =	sbr.rel @p2 .LBB2_2-.Ltmp0, $4  }
0x5f: {  	s12 =	sadd.s32 $0x1480, s12;
	[sflag:s7] =	ssyncadd.s32 $0xFFFFC000  }
0x60: {  	[spmem:s2] =	stream.indirect.scatter.add.f32 [tilespmem:s0], [sflag:$0x3], $0x80, s12, s30, $0xb8;
	[tilespmem:$0x1E800] =	vst v63  }
0x61: {  	_ =	swait.ge [sflag:s28], $0x4000  }
0x62: {  	s13 =	smov.u32 s15;
	s12 =	sshra.s32 s4, $0x2;
	[sflag:s28] =	ssyncset.done $0x0  }
0x63: {  	s4 =	sadd.s32 $0x80, s12;
	[sflag:s28] =	ssyncadd.s32 $0xFFFFC000  }
0x64: {  	[tilespmem:s0], [sflag:$0x2] =	stream.indirect.gather [hbm4b:s1+s30], $0x80, s4, s30, $0xb8;
	[tilespmem:$0x1E800] =	vst v63  }
0x65: {  	_ =	swait.ge [sflag:s5], $0x4000  }
0x66: {  	[sflag:s5] =	ssyncset.done $0x0  }
0x67: {  	s14 =	sadd.s32 $0x1400, s12;
	[sflag:s5] =	ssyncadd.s32 $0xFFFFC000  }
0x68: {  	[spmem:s2] =	stream.indirect.scatter.add.f32 [tilespmem:s31], [sflag:$0x3], $0x80, s14, s30, $0xb8;
	[tilespmem:$0x1E800] =	vst v63  }
0x69: {  	_ =	swait.ge [sflag:s28], $0x4000  }
0x6a: {  	[sflag:s28] =	ssyncset.done $0x0  }
0x6b: {  	s15 =	sadd.s32 $0x100, s12;
	[sflag:s28] =	ssyncadd.s32 $0xFFFFC000  }
0x6c: {  	[tilespmem:s31], [sflag:$0x1] =	stream.indirect.gather [hbm4b:s1+s30], $0x80, s15, s30, $0xb8;
	[tilespmem:$0x1E800] =	vst v63  }
0x6d: {  	_ =	swait.ge [sflag:s7], $0x4000  }
0x6e: {  	[sflag:s7] =	ssyncset.done $0x0  }
0x6f: {  	s12 =	sadd.s32 $0x1480, s12;
	[sflag:s7] =	ssyncadd.s32 $0xFFFFC000  }
0x70: {  	[spmem:s2] =	stream.indirect.scatter.add.f32 [tilespmem:s0], [sflag:$0x3], $0x80, s12, s30, $0xb8;
	[tilespmem:$0x1E800] =	vst v63  }
0x71: {  	_ =	swait.ge [sflag:s28], $0x4000  }
0x72: {  	[sflag:s28] =	ssyncset.done $0x0  }
0x73: {  	[sflag:s28] =	ssyncadd.s32 $0xFFFFC000  }
0x74: {  	[tilespmem:s0], [sflag:$0x2] =	stream.indirect.gather [hbm4b:s1+s30], $0x80, s8, s30, $0xb8;
	[tilespmem:$0x1E800] =	vst v63  }
0x75: {  	_ =	swait.ge [sflag:s5], $0x4000  }
0x76: {  	[sflag:s5] =	ssyncset.done $0x0  }
0x77: {  	[sflag:s5] =	ssyncadd.s32 $0xFFFFC000  }
0x78: {  	[spmem:s2] =	stream.indirect.scatter.add.f32 [tilespmem:s31], [sflag:$0x3], $0x80, s9, s30, $0xb8;
	[tilespmem:$0x1E800] =	vst v63  }
0x79: {  	_ =	swait.ge [sflag:s28], $0x4000  }
0x7a: {  	[sflag:s28] =	ssyncset.done $0x0  }
0x7b: {  	[sflag:s28] =	ssyncadd.s32 $0xFFFFC000  }
0x7c: {  	_ =	swait.ge [sflag:s7], $0x4000  }
0x7d: {  	[sflag:s7] =	ssyncset.done $0x0  }
0x7e: {  	[sflag:s7] =	ssyncadd.s32 $0xFFFFC000  }
0x7f: {  	[spmem:s2] =	stream.indirect.scatter.add.f32 [tilespmem:s0], [sflag:$0x3], $0x80, s10, s30, $0xb8;
	[tilespmem:$0x1E800] =	vst v63  }
0x80: {  	_ =	swait.ge [sflag:s28], $0x4000  }
0x81: {  	[sflag:s28] =	ssyncset.done $0x0  }
0x82: {  	s13 =	simm.s32 $0x0;
	s14 =	rddreg [dreg:$0xa];
	[sflag:s28] =	ssyncadd.s32 $0xFFFFC000  }
0x83: {  	[tilespmem:s13], [sflag:$0x3] =	stream.linear.gather [hbm4b:s14+s13], $0x1400, $0x38;
	[tilespmem:$0x1E800] =	vst v63  }
0x84: {  	_ =	swait.ge [sflag:s28], $0x1400  }
0x85: {  	[sflag:s28] =	ssyncset.done $0x0  }
0x86: {  	s15 =	rddreg [dreg:$0xb];
	[sflag:s28] =	ssyncadd.s32 $0xFFFFEC00  }
0x87: {  	[tilespmem:s29], [sflag:$0x3] =	stream.linear.gather [hbm4b:s15+s13], $0x1400, $0x38;
	[tilespmem:$0x1E800] =	vst v63  }
0x88: {  	_ =	swait.ge [sflag:s28], $0x1400  }
0x89: {  	[sflag:s28] =	ssyncset.done $0x0  }
0x8a: {  	[sflag:s28] =	ssyncadd.s32 $0xFFFFEC00  }
0x8b: {  	[tilespmem:s31], [sflag:$0x1] =	stream.indirect.gather [hbm4b:s1+s30], $0x80, s13, s30, $0xb8;
	[tilespmem:$0x1E800] =	vst v63  }
0x8c: {  	s12 =	simm.s32 $0x80  }
0x8d: {  	[tilespmem:s0], [sflag:$0x2] =	stream.indirect.gather [hbm4b:s1+s30], $0x80, s12, s30, $0xb8;
	[tilespmem:$0x1E800] =	vst v63  }
0x8e: {  	_ =	swait.ge [sflag:s5], $0x4000  }
0x8f: {  	[sflag:s5] =	ssyncset.done $0x0  }
0x90: {  	s13 =	simm.s32 $0x1400;
	[sflag:s5] =	ssyncadd.s32 $0xFFFFC000  }
0x91: {  	[spmem:s2] =	stream.indirect.scatter.add.f32 [tilespmem:s31], [sflag:$0x3], $0x80, s13, s30, $0xb8;
	[tilespmem:$0x1E800] =	vst v63  }
0x92: {  	_ =	swait.ge [sflag:s28], $0x4000  }
0x93: {  	[sflag:s28] =	ssyncset.done $0x0  }
0x94: {  	s14 =	simm.s32 $0x100;
	[sflag:s28] =	ssyncadd.s32 $0xFFFFC000  }
0x95: {  	[tilespmem:s31], [sflag:$0x1] =	stream.indirect.gather [hbm4b:s1+s30], $0x80, s14, s30, $0xb8;
	[tilespmem:$0x1E800] =	vst v63  }
0x96: {  	_ =	swait.ge [sflag:s7], $0x4000  }
0x97: {  	[sflag:s7] =	ssyncset.done $0x0  }
0x98: {  	s15 =	simm.s32 $0x1480;
	[sflag:s7] =	ssyncadd.s32 $0xFFFFC000  }
0x99: {  	[spmem:s2] =	stream.indirect.scatter.add.f32 [tilespmem:s0], [sflag:$0x3], $0x80, s15, s30, $0xb8;
	[tilespmem:$0x1E800] =	vst v63  }
0x9a: {  	_ =	swait.ge [sflag:s28], $0x4000  }
0x9b: {  	s12 =	simm.s32 $0x100;
	s13 =	simm.s32 $0x800;
	[sflag:s28] =	ssyncset.done $0x0  }
.LBB2_4:
0x9c: {  	s4 =	sadd.s32 $0x80, s12  }
0x9d: {  	[sflag:s28] =	ssyncadd.s32 $0xFFFFC000;
	s14 =	smov.u32 s13;
	s15 =	sadd.s32 $0x400, s13  }
0x9e: {  	[tilespmem:s0], [sflag:$0x2] =	stream.indirect.gather [hbm4b:s1+s30], $0x80, s4, s30, $0xb8;
	[tilespmem:$0x1E800] =	vst v63  }
0x9f: {  	p2 =	sne.s32 s13, $0x4800;
	_ =	swait.ge [sflag:s5], $0x4000  }
0xa0: {  	[sflag:s5] =	ssyncset.done $0x0  }
0xa1: {  	s4 =	sadd.s32 $0x1400, s12;
	[sflag:s5] =	ssyncadd.s32 $0xFFFFC000  }
0xa2: {  	[spmem:s2] =	stream.indirect.scatter.add.f32 [tilespmem:s31], [sflag:$0x3], $0x80, s4, s30, $0xb8;
	[tilespmem:$0x1E800] =	vst v63  }
0xa3: {  	_ =	swait.ge [sflag:s28], $0x4000  }
0xa4: {  	[sflag:s28] =	ssyncset.done $0x0  }
0xa5: {  	s4 =	sadd.s32 $0x100, s12;
	[sflag:s28] =	ssyncadd.s32 $0xFFFFC000  }
0xa6: {  	[tilespmem:s31], [sflag:$0x1] =	stream.indirect.gather [hbm4b:s1+s30], $0x80, s4, s30, $0xb8;
	[tilespmem:$0x1E800] =	vst v63  }
0xa7: {  	_ =	swait.ge [sflag:s7], $0x4000  }
.Ltmp1:
0xa8: {  	[sflag:s7] =	ssyncset.done $0x0;
	(pc) =	sbr.rel @p2 .LBB2_4-.Ltmp1, $4  }
0xa9: {  	s4 =	sadd.s32 $0x1480, s12;
	[sflag:s7] =	ssyncadd.s32 $0xFFFFC000  }
0xaa: {  	[spmem:s2] =	stream.indirect.scatter.add.f32 [tilespmem:s0], [sflag:$0x3], $0x80, s4, s30, $0xb8;
	[tilespmem:$0x1E800] =	vst v63  }
0xab: {  	_ =	swait.ge [sflag:s28], $0x4000  }
0xac: {  	s13 =	smov.u32 s15;
	s12 =	sshra.s32 s14, $0x2;
	[sflag:s28] =	ssyncset.done $0x0  }
0xad: {  	s4 =	sadd.s32 $0x80, s12;
	[sflag:s28] =	ssyncadd.s32 $0xFFFFC000  }
0xae: {  	[tilespmem:s0], [sflag:$0x2] =	stream.indirect.gather [hbm4b:s1+s30], $0x80, s4, s30, $0xb8;
	[tilespmem:$0x1E800] =	vst v63  }
0xaf: {  	_ =	swait.ge [sflag:s5], $0x4000  }
0xb0: {  	[sflag:s5] =	ssyncset.done $0x0  }
0xb1: {  	s14 =	sadd.s32 $0x1400, s12;
	[sflag:s5] =	ssyncadd.s32 $0xFFFFC000  }
0xb2: {  	[spmem:s2] =	stream.indirect.scatter.add.f32 [tilespmem:s31], [sflag:$0x3], $0x80, s14, s30, $0xb8;
	[tilespmem:$0x1E800] =	vst v63  }
0xb3: {  	_ =	swait.ge [sflag:s28], $0x4000  }
0xb4: {  	[sflag:s28] =	ssyncset.done $0x0  }
0xb5: {  	s15 =	sadd.s32 $0x100, s12;
	[sflag:s28] =	ssyncadd.s32 $0xFFFFC000  }
0xb6: {  	[tilespmem:s31], [sflag:$0x1] =	stream.indirect.gather [hbm4b:s1+s30], $0x80, s15, s30, $0xb8;
	[tilespmem:$0x1E800] =	vst v63  }
0xb7: {  	_ =	swait.ge [sflag:s7], $0x4000  }
0xb8: {  	[sflag:s7] =	ssyncset.done $0x0  }
0xb9: {  	s12 =	sadd.s32 $0x1480, s12;
	[sflag:s7] =	ssyncadd.s32 $0xFFFFC000  }
0xba: {  	[spmem:s2] =	stream.indirect.scatter.add.f32 [tilespmem:s0], [sflag:$0x3], $0x80, s12, s30, $0xb8;
	[tilespmem:$0x1E800] =	vst v63  }
0xbb: {  	_ =	swait.ge [sflag:s28], $0x4000  }
0xbc: {  	[sflag:s28] =	ssyncset.done $0x0  }
0xbd: {  	[sflag:s28] =	ssyncadd.s32 $0xFFFFC000  }
0xbe: {  	[tilespmem:s0], [sflag:$0x2] =	stream.indirect.gather [hbm4b:s1+s30], $0x80, s8, s30, $0xb8;
	[tilespmem:$0x1E800] =	vst v63  }
0xbf: {  	_ =	swait.ge [sflag:s5], $0x4000  }
0xc0: {  	[sflag:s5] =	ssyncset.done $0x0  }
0xc1: {  	[sflag:s5] =	ssyncadd.s32 $0xFFFFC000  }
0xc2: {  	[spmem:s2] =	stream.indirect.scatter.add.f32 [tilespmem:s31], [sflag:$0x3], $0x80, s9, s30, $0xb8;
	[tilespmem:$0x1E800] =	vst v63  }
0xc3: {  	_ =	swait.ge [sflag:s28], $0x4000  }
0xc4: {  	[sflag:s28] =	ssyncset.done $0x0  }
0xc5: {  	[sflag:s28] =	ssyncadd.s32 $0xFFFFC000  }
0xc6: {  	_ =	swait.ge [sflag:s7], $0x4000  }
0xc7: {  	[sflag:s7] =	ssyncset.done $0x0  }
0xc8: {  	[sflag:s7] =	ssyncadd.s32 $0xFFFFC000  }
0xc9: {  	[spmem:s2] =	stream.indirect.scatter.add.f32 [tilespmem:s0], [sflag:$0x3], $0x80, s10, s30, $0xb8;
	[tilespmem:$0x1E800] =	vst v63  }
0xca: {  	_ =	swait.ge [sflag:s28], $0x4000  }
0xcb: {  	[sflag:s28] =	ssyncset.done $0x0  }
0xcc: {  	[sflag:s28] =	ssyncadd.s32 $0xFFFFC000  }
0xcd: {  	[bflag:$0x0] =	sbarrier.arrive $0xFFFF  }
0xce: {  	[tilespmem:s31], [sflag:$0x3] =	stream.linear.gather [spmem:s6], $0x4000, $0x38;
	[tilespmem:$0x1E800] =	vst v63  }
0xcf: {  	_ =	swait.ge [sflag:s28], $0x4000  }
0xd0: {  	[sflag:s28] =	ssyncset.done $0x0  }
0xd1: {  	s13 =	rddreg [dreg:$0xc];
	[sflag:s28] =	ssyncadd.s32 $0xFFFFC000  }
0xd2: {  	[hbm4b:s13+s3] =	stream.linear.scatter [tilespmem:s31], [sflag:$0x3], $0x4000, $0x38;
	[tilespmem:$0x1E800] =	vst v63  }
0xd3: {  	_ =	swait.ge [sflag:s28], $0x4000  }
0xd4: {  	[sflag:s28] =	ssyncset.done $0x0  }
0xd5: {  	[sflag:s28] =	ssyncadd.s32 $0xFFFFC000  }
0xd6: {  	[tilespmem:s31], [sflag:$0x3] =	stream.linear.gather [spmem:s19], $0x4000, $0x38;
	[tilespmem:$0x1E800] =	vst v63  }
0xd7: {  	_ =	swait.ge [sflag:s28], $0x4000  }
0xd8: {  	[sflag:s28] =	ssyncset.done $0x0  }
0xd9: {  	s14 =	rddreg [dreg:$0xd];
	[sflag:s28] =	ssyncadd.s32 $0xFFFFC000  }
0xda: {  	[hbm4b:s14+s3] =	stream.linear.scatter [tilespmem:s31], [sflag:$0x3], $0x4000, $0x38;
	[tilespmem:$0x1E800] =	vst v63  }
0xdb: {  	_ =	swait.ge [sflag:s28], $0x4000  }
0xdc: {  	[sflag:s28] =	ssyncset.done $0x0  }
0xdd: {  	[sflag:s28] =	ssyncadd.s32 $0xFFFFC000  }
0xde: {  	[tilespmem:s31], [sflag:$0x3] =	stream.linear.gather [spmem:s20], $0x4000, $0x38;
	[tilespmem:$0x1E800] =	vst v63  }
0xdf: {  	_ =	swait.ge [sflag:s28], $0x4000  }
0xe0: {  	[sflag:s28] =	ssyncset.done $0x0  }
0xe1: {  	s15 =	rddreg [dreg:$0xe];
	[sflag:s28] =	ssyncadd.s32 $0xFFFFC000  }
0xe2: {  	[hbm4b:s15+s3] =	stream.linear.scatter [tilespmem:s31], [sflag:$0x3], $0x4000, $0x38;
	[tilespmem:$0x1E800] =	vst v63  }
0xe3: {  	_ =	swait.ge [sflag:s28], $0x4000  }
0xe4: {  	[sflag:s28] =	ssyncset.done $0x0  }
0xe5: {  	[sflag:s28] =	ssyncadd.s32 $0xFFFFC000  }
0xe6: {  	[tilespmem:s31], [sflag:$0x3] =	stream.linear.gather [spmem:s21], $0x4000, $0x38;
	[tilespmem:$0x1E800] =	vst v63  }
0xe7: {  	_ =	swait.ge [sflag:s28], $0x4000  }
0xe8: {  	[sflag:s28] =	ssyncset.done $0x0  }
0xe9: {  	[sflag:s28] =	ssyncadd.s32 $0xFFFFC000  }
0xea: {  	[hbm4b:s16+s3] =	stream.linear.scatter [tilespmem:s31], [sflag:$0x3], $0x4000, $0x38;
	[tilespmem:$0x1E800] =	vst v63  }
0xeb: {  	_ =	swait.ge [sflag:s28], $0x4000  }
0xec: {  	[sflag:s28] =	ssyncset.done $0x0  }
0xed: {  	[sflag:s28] =	ssyncadd.s32 $0xFFFFC000  }
0xee: {  	[tilespmem:s31], [sflag:$0x3] =	stream.linear.gather [spmem:s22], $0x4000, $0x38;
	[tilespmem:$0x1E800] =	vst v63  }
0xef: {  	s11 =	sadd.s32 $0x1, s11;
	_ =	swait.ge [sflag:s28], $0x4000  }
0xf0: {  	p2 =	sne.s32 s11, s18;
	[sflag:s28] =	ssyncset.done $0x0  }
.Ltmp2:
0xf1: {  	[sflag:s28] =	ssyncadd.s32 $0xFFFFC000;
	(pc) =	sbr.rel @p2 .LBB2_1-.Ltmp2, $4  }
0xf2: {  	[hbm4b:s17+s3] =	stream.linear.scatter [tilespmem:s31], [sflag:$0x3], $0x4000, $0x38;
	[tilespmem:$0x1E800] =	vst v63  }
0xf3: {  	_ =	swait.ge [sflag:s28], $0x4000  }
0xf4: {  	[sflag:s28] =	ssyncset.done $0x0  }
0xf5: {  	[sflag:s28] =	ssyncadd.s32 $0xFFFFC000  }
0xf6: {  	_ =	sfence.sel $0x180000  }
0xf7: {  	[bflag:$0x0] =	sbarrier.arrive $0xFFFF  }
0xf8: {  	_ =	strace $0x90000047  }
0xf9: {  	s0 =	stileid.u32;
	[bflag:$0x2] =	sbarrier.arrive $0xFFFF  }
0xfa: {  	p0 =	sne.s32 s0, $0x0;
	s0 =	rddreg [dreg:$0x4]  }
0xfb: {  	s0 =	sadd.s32 @!p0 $0x100000, s0  }
0xfc: {  	[sflag:s0] =	ssyncadd.tile.s32 @!p0 $0x1;
	_ =	shalt  }
.Lfunc_end2:
_tile_overlayer_lowered:
.L_overlay_start_2:
0xfd: {  	(tag) =	ssettag $0x2  }
0xfe: {  	s0 =	rddreg [dreg:$0x0];
	s2 =	stileid.u32  }
0xff: {  	s1 =	rddreg [dreg:$0x1];
	p0 =	sne.s32 s2, $0x0  }
0x100: {  	s3 =	rddreg [dreg:$0x2];
	[bflag:$0x3] =	sbarrier.arrive $0xFFFF;
	s2 =	simm.s32 @!p0 $0x1C03  }
0x101: {  	[timem:s3], [sflag:s2] =	dma.local @!p0 [hbm:s0], s1  }
0x102: {  	s0 =	simm.s32 @!p0 $0x3  }
0x103: {  	_ =	swait.ge @!p0 [sflag:s0], s1  }
0x104: {  	s1 =	ssub.s32 @!p0 $0x0, s1;
	[sflag:s0] =	ssyncset.done @!p0 $0x0  }
0x105: {  	[sflag:s0] =	ssyncadd.s32 @!p0 s1  }
0x106: {  	[bflag:$0x3] =	sbarrier.arrive $0xFFFF  }
0x107: {  	_ =	shalt  }

// kernel: kernel.9.cloned.1.call-start
scs
__scs_entry_jumppad:
0x0: {  	(pc) =	sbr.rel $0x88, $3  }
0x1: {  	(tag) =	ssettag $0x0;
	lr =	simm.s32 $0x1  }
0x2: {  	[smem:$0x3F97] =	sst lr;
	_ =	strace $0xD0000000  }
0x3: {  	_ = 	snop  }
0x4: {  	_ = 	snop  }
0x5: {  	_ = 	snop  }
0x6: {  	_ = 	snop  }
0x7: {  	_ = 	snop  }
__scs_overlays_trampoline_lowered:
0x8: {  	[smem:$0x3FA6] =	sst s0  }
0x9: {  	[smem:$0x3FA7] =	sst s1  }
0xa: {  	[smem:$0x3FA8] =	sst s2  }
0xb: {  	[smem:$0x3FA9] =	sst s3  }
0xc: {  	[smem:$0x3FAA] =	sst s4  }
0xd: {  	[smem:$0x3FAB] =	sst s5  }
0xe: {  	[smem:$0x3FAC] =	sst s6  }
0xf: {  	[smem:$0x3FAD] =	sst s7  }
0x10: {  	[smem:$0x3FAE] =	sst s8  }
0x11: {  	[smem:$0x3FAF] =	sst s9;
	s0 =	simm.s32 @!p0 $0x0  }
0x12: {  	s1 =	sld [smem:$0x3F95];
	s0 =	simm.s32 @p0 $0x1  }
0x13: {  	[smem:$0x3FB0] =	sst s0;
	s0 =	simm.s32 @!p1 $0x0  }
0x14: {  	s2 =	sld [smem:$0x3F94];
	s0 =	simm.s32 @p1 $0x1  }
0x15: {  	[smem:$0x3FB1] =	sst s0;
	s0 =	simm.s32 @!p2 $0x0  }
0x16: {  	s3 =	sld [smem:$0x3FDB];
	s0 =	simm.s32 @p2 $0x1  }
0x17: {  	s4 =	simm.s32 $0x1BF5;
	[smem:$0x3FB3] =	sst s0  }
0x18: {  	s0 =	sld [smem:$0x3F96];
	_ =	swait.ge [sflag:s4], $0x0  }
0x19: {  	s7 =	sld [smem:$0x3F97]  }
0x1a: {  	s8 =	sadd.s32 $0xFFFFE003, lr  }
0x1b: {  	s9 =	sadd.s32 $0xFFFFFEF7, lr;
	s5 =	simm.s32 $0xFFFFFFFF;
	p2 =	slt.u32 s8, $0xFFFFF086  }
0x1c: {  	p1 =	slt.u32 s9, $0xF7A;
	s5 =	simm.s32 @!p2 $0x0  }
0x1d: {  	s5 =	simm.s32 @p1 $0x1;
	p0 =	seq.s32 s7, s2  }
0x1e: {  	s7 =	smul.u32 @!p0 $0xF7A, s2;
	p2 =	seq.s32 @!p0 s5, $0x0  }
0x1f: {  	s9 =	smul.u32 $0xF7A, s1;
	s8 =	simm.s32 @!p0 $0x1BF5;
	p2 =	por !p2, p0  }
0x20: {  	[sflag:s8] =	ssyncset.s32 @!p0 $0xFFFFF086;
	s6 =	sadd.s32 @!p0 s3, s7;
	s7 =	simm.s32 @!p0 $0x108  }
0x21: {  	s3 =	sadd.s32 s3, s9;
	s6 =	sadd.s32 @!p0 $0x88, s6;
	s7 =	simm.s32 @p2 $0x1082  }
0x22: {  	[simem:s7], [sflag:s8] =	dma.local @!p0 [hbm:s6], $0xF7A  }
0x23: {  	s9 =	sor.u32 $0xD0000000, s2;
	s6 =	simm.s32 $0x108;
	_ =	swait.ge @!p0 [sflag:s8], $0x0  }
0x24: {  	s3 =	sadd.s32 $0x88, s3;
	s6 =	simm.s32 @!p1 $0x1082;
	[sflag:s4] =	ssyncset.s32 $0xFFFFF086  }
0x25: {  	[simem:s6], [sflag:s4] =	dma.local [hbm:s3], $0xF7A  }
0x26: {  	[smem:$0x3F97] =	sst s1;
	(tag) =	ssettag s2;
	_ =	strace s9  }
0x27: {  	s1 =	sld [smem:$0x3FA7]  }
0x28: {  	s2 =	sld [smem:$0x3FA8]  }
0x29: {  	s4 =	sld [smem:$0x3FAA]  }
0x2a: {  	p0 =	seq.s32 s5, $0x0;
	s5 =	sld [smem:$0x3FAB]  }
0x2b: {  	s6 =	sld [smem:$0x3FAC]  }
0x2c: {  	s7 =	sld [smem:$0x3FAD]  }
0x2d: {  	s3 =	simm.s32 $0x108;
	s8 =	sld [smem:$0x3FAE]  }
0x2e: {  	s3 =	simm.s32 @!p0 $0x1082;
	s9 =	sld [smem:$0x3FAF]  }
0x2f: {  	lr =	sadd.s32 s0, s3;
	s0 =	sld [smem:$0x3FA6]  }
0x30: {  	s3 =	sld [smem:$0x3FA9]  }
0x31: {  	[smem:$0x3FB2] =	sst s10  }
0x32: {  	s10 =	sld [smem:$0x3FB0];
	_ =	sdelay $0x3  }
0x33: {  	p0 =	seq.s32 s10, $0x1;
	s10 =	sld [smem:$0x3FB2];
	_ =	sdelay $0x3  }
0x34: {  	[smem:$0x3FB2] =	sst s10  }
0x35: {  	s10 =	sld [smem:$0x3FB1];
	_ =	sdelay $0x3  }
0x36: {  	p1 =	seq.s32 s10, $0x1;
	s10 =	sld [smem:$0x3FB2];
	_ =	sdelay $0x3  }
0x37: {  	[smem:$0x3FB2] =	sst s10  }
0x38: {  	s10 =	sld [smem:$0x3FB3]  }
0x39: {  	_ = 	snop;
	(pc) =	sbr.ind lr, $3  }
0x3a: {  	_ = 	snop  }
0x3b: {  	_ = 	snop  }
0x3c: {  	p2 =	seq.s32 s10, $0x1;
	s10 =	sld [smem:$0x3FB2]  }
0x3d: {  	_ =	shalt  }
0x3e: {  	_ =	shalt  }
0x3f: {  	_ =	shalt  }
0x40: {  	_ =	shalt  }
0x41: {  	_ =	shalt  }
0x42: {  	_ =	shalt  }
0x43: {  	_ =	shalt  }
0x44: {  	_ =	shalt  }
0x45: {  	_ =	shalt  }
0x46: {  	_ =	shalt  }
0x47: {  	_ =	shalt  }
0x48: {  	_ =	shalt  }
0x49: {  	_ =	shalt  }
0x4a: {  	_ =	shalt  }
0x4b: {  	_ =	shalt  }
0x4c: {  	_ =	shalt  }
0x4d: {  	_ =	shalt  }
0x4e: {  	_ =	shalt  }
0x4f: {  	_ =	shalt  }
0x50: {  	_ =	shalt  }
0x51: {  	_ =	shalt  }
0x52: {  	_ =	shalt  }
0x53: {  	_ =	shalt  }
0x54: {  	_ =	shalt  }
0x55: {  	_ =	shalt  }
0x56: {  	_ =	shalt  }
0x57: {  	_ =	shalt  }
0x58: {  	_ =	shalt  }
0x59: {  	_ =	shalt  }
0x5a: {  	_ =	shalt  }
0x5b: {  	_ =	shalt  }
0x5c: {  	_ =	shalt  }
0x5d: {  	_ =	shalt  }
0x5e: {  	_ =	shalt  }
0x5f: {  	_ =	shalt  }
0x60: {  	_ =	shalt  }
0x61: {  	_ =	shalt  }
0x62: {  	_ =	shalt  }
0x63: {  	_ =	shalt  }
0x64: {  	_ =	shalt  }
0x65: {  	_ =	shalt  }
0x66: {  	_ =	shalt  }
0x67: {  	_ =	shalt  }
0x68: {  	_ =	shalt  }
0x69: {  	_ =	shalt  }
0x6a: {  	_ =	shalt  }
0x6b: {  	_ =	shalt  }
0x6c: {  	_ =	shalt  }
0x6d: {  	_ =	shalt  }
0x6e: {  	_ =	shalt  }
0x6f: {  	_ =	shalt  }
0x70: {  	_ =	shalt  }
0x71: {  	_ =	shalt  }
0x72: {  	_ =	shalt  }
0x73: {  	_ =	shalt  }
0x74: {  	_ =	shalt  }
0x75: {  	_ =	shalt  }
0x76: {  	_ =	shalt  }
0x77: {  	_ =	shalt  }
0x78: {  	_ =	shalt  }
0x79: {  	_ =	shalt  }
0x7a: {  	_ =	shalt  }
0x7b: {  	_ =	shalt  }
0x7c: {  	_ =	shalt  }
0x7d: {  	_ =	shalt  }
0x7e: {  	_ =	shalt  }
0x7f: {  	_ =	shalt  }
0x80: {  	_ =	shalt  }
0x81: {  	_ =	shalt  }
0x82: {  	_ =	shalt  }
0x83: {  	_ =	shalt  }
0x84: {  	_ =	shalt  }
0x85: {  	_ =	shalt  }
0x86: {  	_ =	shalt  }
0x87: {  	_ =	shalt  }
.Lfunc_end0:
.L_simem_size_0:
called_computation.1_lowered:
.L_overlay_start_0:
0x88: {  	s2 =	sld [smem:$0x3FD9]  }
0x89: {  	s3 =	sld [smem:$0x3FFE];
	_ =	sdelay $0x1  }
0x8a: {  	s1 =	srdreg.scid  }
0x8b: {  	s0 =	sand.u32 $0x1, s1  }
0x8c: {  	s17 =	sshll.u32 s0, $0xA;
	s2 =	sadd.s32 s3, s2  }
0x8d: {  	s2 =	sadd.s32 s2, s17  }
0x8e: {  	[smem:$0x3FBE] =	sst s2  }
0x8f: {  	_ = 	snop  }
0x90: {  	s2 =	sld [smem:$0x3FD0];
	(tm) =	ssettm $0x1  }
0x91: {  	s18 =	sld [smem:$0x3FFB];
	_ =	sdelay $0x3  }
0x92: {  	_ =	strace s18  }
0x93: {  	s3 =	sld [smem:$0x3FFC];
	_ =	sdelay $0x3  }
0x94: {  	_ =	strace s3  }
0x95: {  	s3 =	sld [smem:$0x3FFD];
	_ =	sdelay $0x3  }
0x96: {  	_ =	strace s3  }
0x97: {  	_ =	strace $0x8FFFFFFF  }
0x98: {  	s19 =	sld [smem:$0x3FDB];
	_ =	sdelay $0x1  }
0x99: {  	s4 =	simm.s32 $_scs_section_size  }
0x9a: {  	s5 =	simm.s32 $_size__tile_overlayer_lowered;
	s6 =	simm.s32 $_tile_overlayer_lowered  }
0x9b: {  	s22 =	simm.s32 $0x1BFF;
	s21 =	sshll.u32 s6, $0x1;
	s3 =	sadd.s32 s4, s19  }
0x9c: {  	s7 =	simm.s32 $0x0;
	s20 =	sshll.u32 s5, $0x1;
	s5 =	sadd.s32 s21, s3  }
0x9d: {  	[timem:s7], [sflag:s22] =	dma.local [hbm:s5], s20  }
0x9e: {  	_ =	swait.ge [sflag:s22], s20  }
0x9f: {  	s4 =	ssub.s32 $0x0, s20;
	[sflag:s22] =	ssyncset.done $0x0  }
0xa0: {  	[sflag:s22] =	ssyncadd.s32 s4;
	_ =	sdelay $0x1  }
0xa1: {  	s23 =	simm.s32 $0x1B8B  }
0xa2: {  	_ =	swait.ge [sflag:s23], $0x1  }
0xa3: {  	[sflag:s23] =	ssyncset.done $0x0  }
0xa4: {  	s25 =	simm.s32 $0x1B8E;
	s24 =	sld [smem:$0x3FFE];
	[sflag:s23] =	ssyncadd.s32 $0xFFFFFFFF  }
0xa5: {  	s26 =	simm.s32 $execute0_lowered;
	[smem:$0x3FD2] =	sst s25  }
0xa6: {  	s5 =	sshll.u32 s26, $0x1;
	_ =	strace $0x80000049;
	[dreg:$0x1] =	wrdreg $0xFFFFFFFF  }
0xa7: {  	s28 =	simm.s32 $_size_execute0_lowered;
	s3 =	sadd.s32 s3, s5;
	[dreg:$0x0] =	wrdreg $0x0  }
0xa8: {  	s5 =	sshll.u32 s28, $0x1;
	[dreg:$0x2] =	wrdreg s3  }
0xa9: {  	[dreg:$0x3] =	wrdreg s5  }
0xaa: {  	[dreg:$0x4] =	wrdreg $0xC0  }
0xab: {  	_ =	task [dreg:s7], $0x5FFFF  }
0xac: {  	[dreg:$0x1] =	wrdreg $0xFFFFFFFF  }
0xad: {  	[dreg:$0x0] =	wrdreg $0x60  }
0xae: {  	[dreg:$0x2] =	wrdreg s24  }
0xaf: {  	[dreg:$0x3] =	wrdreg s2  }
0xb0: {  	[dreg:$0x4] =	wrdreg $0xA8000  }
0xb1: {  	[dreg:$0x5] =	wrdreg $0x9  }
0xb2: {  	_ =	task.clear_ibuf [dreg:s7], $0x6FFFF;
	_ =	strace $0x90000049  }
0xb3: {  	s29 =	simm.s32 $0x9;
	_ =	strace $0x8000004B  }
0xb4: {  	_ =	swait.ge [sflag:s29], $0x1  }
0xb5: {  	[sflag:s29] =	ssyncadd.s32 $0xFFFFFFFF  }
0xb6: {  	_ =	strace $0x9000004B  }
0xb7: {  	_ =	sfence  }
0xb8: {  	s30 =	sld [smem:$0x0];
	_ =	sdelay $0x2  }
0xb9: {  	s31 =	sshll.u32 s1, $0xD;
	s1 =	sshrl.u32 s1, $0x2  }
0xba: {  	s3 =	sand.u32 $0x4000, s31;
	s1 =	sadd.s32 s1, s30  }
0xbb: {  	s0 =	sor.u32 s3, s0;
	s1 =	sshll.u32 s1, $0x11  }
0xbc: {  	s0 =	sor.u32 s1, s0  }
0xbd: {  	s0 =	sadd.s32 $0x8F2B, s0  }
0xbe: {  	[sflag:s0] =	ssyncadd.remote.s32 $0x1  }
0xbf: {  	_ =	sfence.sel $0xFFFF  }
0xc0: {  	[dreg:$0x0] =	wrdreg $0xFFFFFFFF;
	(pc) =	sbr.abs _section_cstart, $3  }
0xc1: {  	[dreg:$0x1] =	wrdreg $0xFFFFFFFF  }
0xc2: {  	_ =	task.clear_ibuf [dreg:s7], $0x2FFFF;
	_ =	strace $0x9FFFFFFF  }
0xc3: {  	(tm) =	ssettm $0x7FFFFFFF  }
tec
execute0_lowered:
.L_overlay_start_1:
0x0: {  	(tag) =	ssettag $0x1  }
0x1: {  	s0 =	rddreg [dreg:$0x0]  }
0x2: {  	s3 =	rddreg [dreg:$0x1]  }
0x3: {  	s1 =	rddreg [dreg:$0x2];
	s2 =	simm.s32 $0x0;
	s5 =	srdreg.scid  }
0x4: {  	s22 =	stileid.u32;
	s28 =	simm.s32 $0x3;
	s29 =	simm.s32 $0x1400  }
0x5: {  	s30 =	simm.s32 $0x80;
	s31 =	simm.s32 $0x2800;
	[smem:$0x7FF] =	sst s2  }
0x6: {  	s4 =	sadd.s32 $0x33800, s0;
	s5 =	sand.u32 $0x1, s5;
	s7 =	smul.u32 $0x50000, s22  }
0x7: {  	s6 =	sshll.u32 s22, $0x1;
	s8 =	sadd.s32 $0x1800, s0;
	s9 =	smul.u32 $0x2800, s22  }
0x8: {  	s18 =	sadd.s32 $0xB800, s0;
	s11 =	sadd.s32 $0x5AA00, s0;
	s17 =	smul.u32 $0x4E000, s22  }
0x9: {  	s19 =	smul.u32 $0x14000, s22;
	_ =	strace $0x8000004A;
	s6 =	sor.u32 s5, s6  }
0xa: {  	s10 =	ssub.s32 $0x2, s5;
	s21 =	smul.u32 $0x140000, s5;
	p0 =	sne.s32 s5, $0x0  }
0xb: {  	s5 =	sadd.s32 $0x138000, s1;
	s6 =	smul.u32 $0x2800, s6;
	s12 =	sshrl.u32 s10, $0x1  }
0xc: {  	s7 =	sshrl.u32 s7, $0x2;
	s20 =	sadd.s32 $0x4000, s19;
	s23 =	sadd.s32 $0x10000, s19  }
0xd: {  	p1 =	sne.s32 @!p0 s22, $0xF;
	s10 =	ssub.s32 s10, s12;
	s24 =	sadd.s32 s21, s19  }
0xe: {  	s25 =	sadd.s32 s21, s20;
	s20 =	sadd.s32 s20, s1;
	p1 =	por p1, p0  }
0xf: {  	s6 =	sshrl.u32 s6, $0x3;
	s26 =	sshrl.u32 s25, $0x3;
	s25 =	sadd.s32 s18, s9  }
0x10: {  	s9 =	simm.s32 $0x2780;
	s13 =	sadd.s32 s3, s6;
	[dreg:$0xd] =	wrdreg s25  }
0x11: {  	s14 =	sadd.s32 s8, s6;
	s6 =	sadd.s32 $0x280, s6;
	[dreg:$0x4] =	wrdreg s13  }
0x12: {  	s25 =	sshrl.u32 @!p1 s5, $0x3;
	s5 =	simm.s32 $0x2;
	[dreg:$0x5] =	wrdreg s14  }
0x13: {  	s3 =	sadd.s32 s3, s6;
	s6 =	sadd.s32 s8, s6;
	s8 =	sadd.s32 s11, s26  }
0x14: {  	s13 =	sadd.s32 s21, s23;
	s26 =	sshrl.u32 s17, $0x2;
	[dreg:$0x6] =	wrdreg s3  }
0x15: {  	s23 =	sadd.s32 s23, s1;
	[dreg:$0x7] =	wrdreg s6;
	s3 =	sshrl.u32 s24, $0x3  }
0x16: {  	[dreg:$0x9] =	wrdreg s8;
	s8 =	sadd.s32 $0xC000, s19;
	s24 =	smul.u32 $0x2700, s22  }
0x17: {  	s3 =	sadd.s32 s11, s3;
	s15 =	sadd.s32 s21, s8;
	s22 =	sadd.s32 s8, s1  }
0x18: {  	s8 =	simm.s32 $0x2700;
	[dreg:$0x8] =	wrdreg s3;
	s3 =	sadd.s32 $0x8000, s19  }
0x19: {  	s16 =	sshrl.u32 s15, $0x3;
	s19 =	sshrl.u32 s13, $0x3;
	s15 =	sadd.s32 s7, s1  }
0x1a: {  	s7 =	sadd.s32 s26, s1;
	s17 =	sadd.s32 s4, s24;
	s14 =	sadd.s32 s21, s3  }
0x1b: {  	s21 =	sadd.s32 s11, s19;
	s19 =	smax.u32 s10, $0x1;
	s24 =	sshrl.u32 @!p0 s7, $0x3  }
0x1c: {  	s7 =	simm.s32 $0x1380;
	s10 =	simm.s32 $0x0;
	s6 =	sshrl.u32 s14, $0x3  }
0x1d: {  	[dreg:$0xc] =	wrdreg s21;
	s21 =	sadd.s32 s3, s1;
	s6 =	sadd.s32 s11, s6  }
0x1e: {  	[dreg:$0xa] =	wrdreg s6;
	s6 =	sadd.s32 s11, s16;
	s16 =	smov.u32 s18  }
0x1f: {  	s18 =	sadd.s32 $0x5A800, s0;
	s0 =	sadd.s32 $0x138800, s1;
	[dreg:$0xb] =	wrdreg s6  }
0x20: {  	s26 =	sshrl.u32 @!p1 s0, $0x3;
	s0 =	simm.s32 $0x6800;
	s6 =	simm.s32 $0x1  }
.LBB2_1:
0x21: {  	s12 =	stileid.u32  }
0x22: {  	s3 =	sshll.u32 @p0 s12, $0x6  }
0x23: {  	s11 =	sshrl.u32 @p0 s15, $0x3;
	s13 =	rddreg [dreg:$0xd];
	s3 =	sor.u32 @p0 $0x1C03, s3  }
0x24: {  	[spmem:s11], [sflag:s3] =	dma.local @p0 [hbm:s13], $0x2800  }
0x25: {  	s3 =	simm.s32 @p0 $0x3  }
0x26: {  	_ =	swait.ge @p0 [sflag:s3], $0x2800  }
0x27: {  	s11 =	sshll.u32 @!p0 s12, $0x6;
	[sflag:s3] =	ssyncset.done @p0 $0x0  }
0x28: {  	[sflag:s3] =	ssyncadd.s32 @p0 $0xFFFFD800;
	s3 =	sor.u32 @!p0 $0x1C03, s11  }
0x29: {  	[spmem:s24], [sflag:s3] =	dma.local @!p0 [hbm:s17], $0x2700  }
0x2a: {  	s3 =	simm.s32 @!p0 $0x3  }
0x2b: {  	_ =	swait.ge @!p0 [sflag:s3], $0x2700  }
0x2c: {  	[sflag:s3] =	ssyncset.done @!p0 $0x0  }
0x2d: {  	s11 =	simm.s32 @!p1 $0x3;
	[sflag:s3] =	ssyncadd.s32 @!p0 $0xFFFFD900;
	s3 =	simm.s32 @!p1 $0x1FC3  }
0x2e: {  	[spmem:s25], [sflag:s3] =	dma.local @!p1 [hbm:s18], $0x100  }
0x2f: {  	_ =	swait.ge @!p1 [sflag:s11], $0x100  }
0x30: {  	[sflag:s11] =	ssyncset.done @!p1 $0x0  }
0x31: {  	[sflag:s11] =	ssyncadd.s32 @!p1 $0xFFFFFF00  }
0x32: {  	[spmem:s26], [sflag:s3] =	dma.local @!p1 [hbm:s16], $0xF00  }
0x33: {  	_ =	swait.ge @!p1 [sflag:s11], $0xF00  }
0x34: {  	[sflag:s11] =	ssyncset.done @!p1 $0x0  }
0x35: {  	[sflag:s11] =	ssyncadd.s32 @!p1 $0xFFFFF100  }
0x36: {  	[bflag:$0x0] =	sbarrier.arrive $0xFFFF  }
0x37: {  	s13 =	rddreg [dreg:$0x4]  }
0x38: {  	[tilespmem:s2], [sflag:$0x3] =	stream.linear.gather [hbm4b:s13+s2], $0x1400, $0x38;
	[tilespmem:$0x1E800] =	vst v63  }
0x39: {  	_ =	swait.ge [sflag:s28], $0x1400  }
0x3a: {  	[sflag:s28] =	ssyncset.done $0x0  }
0x3b: {  	s14 =	rddreg [dreg:$0x5];
	[sflag:s28] =	ssyncadd.s32 $0xFFFFEC00  }
0x3c: {  	[tilespmem:s29], [sflag:$0x3] =	stream.linear.gather [hbm4b:s14+s2], $0x1400, $0x38;
	[tilespmem:$0x1E800] =	vst v63  }
0x3d: {  	_ =	swait.ge [sflag:s28], $0x1400  }
0x3e: {  	[sflag:s28] =	ssyncset.done $0x0  }
0x3f: {  	[sflag:s28] =	ssyncadd.s32 $0xFFFFEC00  }
0x40: {  	[tilespmem:s31], [sflag:$0x1] =	stream.indirect.gather [hbm4b:s4+s30], $0x80, s2, s30, $0xb8;
	[tilespmem:$0x1E800] =	vst v63  }
0x41: {  	s11 =	simm.s32 $0x80  }
0x42: {  	[tilespmem:s0], [sflag:$0x2] =	stream.indirect.gather [hbm4b:s4+s30], $0x80, s11, s30, $0xb8;
	[tilespmem:$0x1E800] =	vst v63  }
0x43: {  	_ =	swait.ge [sflag:s6], $0x4000  }
0x44: {  	[sflag:s6] =	ssyncset.done $0x0  }
0x45: {  	s12 =	simm.s32 $0x1400;
	[sflag:s6] =	ssyncadd.s32 $0xFFFFC000  }
0x46: {  	[spmem:s1] =	stream.indirect.scatter.add.f32 [tilespmem:s31], [sflag:$0x3], $0x80, s12, s30, $0xb8;
	[tilespmem:$0x1E800] =	vst v63  }
0x47: {  	_ =	swait.ge [sflag:s28], $0x4000  }
0x48: {  	[sflag:s28] =	ssyncset.done $0x0  }
0x49: {  	s13 =	simm.s32 $0x100;
	[sflag:s28] =	ssyncadd.s32 $0xFFFFC000  }
0x4a: {  	[tilespmem:s31], [sflag:$0x1] =	stream.indirect.gather [hbm4b:s4+s30], $0x80, s13, s30, $0xb8;
	[tilespmem:$0x1E800] =	vst v63  }
0x4b: {  	_ =	swait.ge [sflag:s5], $0x4000  }
0x4c: {  	[sflag:s5] =	ssyncset.done $0x0  }
0x4d: {  	s14 =	simm.s32 $0x1480;
	[sflag:s5] =	ssyncadd.s32 $0xFFFFC000  }
0x4e: {  	[spmem:s1] =	stream.indirect.scatter.add.f32 [tilespmem:s0], [sflag:$0x3], $0x80, s14, s30, $0xb8;
	[tilespmem:$0x1E800] =	vst v63  }
0x4f: {  	_ =	swait.ge [sflag:s28], $0x4000  }
0x50: {  	s3 =	simm.s32 $0x800;
	s11 =	simm.s32 $0x100;
	[sflag:s28] =	ssyncset.done $0x0  }
.LBB2_2:
0x51: {  	s12 =	sadd.s32 $0x80, s11  }
0x52: {  	[sflag:s28] =	ssyncadd.s32 $0xFFFFC000;
	s13 =	smov.u32 s3;
	s14 =	sadd.s32 $0x400, s3  }
0x53: {  	[tilespmem:s0], [sflag:$0x2] =	stream.indirect.gather [hbm4b:s4+s30], $0x80, s12, s30, $0xb8;
	[tilespmem:$0x1E800] =	vst v63  }
0x54: {  	p2 =	sne.s32 s3, $0x4800;
	_ =	swait.ge [sflag:s6], $0x4000  }
0x55: {  	[sflag:s6] =	ssyncset.done $0x0  }
0x56: {  	s3 =	sadd.s32 $0x1400, s11;
	[sflag:s6] =	ssyncadd.s32 $0xFFFFC000  }
0x57: {  	[spmem:s1] =	stream.indirect.scatter.add.f32 [tilespmem:s31], [sflag:$0x3], $0x80, s3, s30, $0xb8;
	[tilespmem:$0x1E800] =	vst v63  }
0x58: {  	_ =	swait.ge [sflag:s28], $0x4000  }
0x59: {  	[sflag:s28] =	ssyncset.done $0x0  }
0x5a: {  	s3 =	sadd.s32 $0x100, s11;
	[sflag:s28] =	ssyncadd.s32 $0xFFFFC000  }
0x5b: {  	[tilespmem:s31], [sflag:$0x1] =	stream.indirect.gather [hbm4b:s4+s30], $0x80, s3, s30, $0xb8;
	[tilespmem:$0x1E800] =	vst v63  }
0x5c: {  	_ =	swait.ge [sflag:s5], $0x4000  }
.Ltmp0:
0x5d: {  	[sflag:s5] =	ssyncset.done $0x0;
	(pc) =	sbr.rel @p2 .LBB2_2-.Ltmp0, $4  }
0x5e: {  	s3 =	sadd.s32 $0x1480, s11;
	[sflag:s5] =	ssyncadd.s32 $0xFFFFC000  }
0x5f: {  	[spmem:s1] =	stream.indirect.scatter.add.f32 [tilespmem:s0], [sflag:$0x3], $0x80, s3, s30, $0xb8;
	[tilespmem:$0x1E800] =	vst v63  }
0x60: {  	_ =	swait.ge [sflag:s28], $0x4000  }
0x61: {  	s11 =	sshra.s32 s13, $0x2;
	s3 =	smov.u32 s14;
	[sflag:s28] =	ssyncset.done $0x0  }
0x62: {  	s3 =	sadd.s32 $0x80, s11;
	[sflag:s28] =	ssyncadd.s32 $0xFFFFC000  }
0x63: {  	[tilespmem:s0], [sflag:$0x2] =	stream.indirect.gather [hbm4b:s4+s30], $0x80, s3, s30, $0xb8;
	[tilespmem:$0x1E800] =	vst v63  }
0x64: {  	_ =	swait.ge [sflag:s6], $0x4000  }
0x65: {  	[sflag:s6] =	ssyncset.done $0x0  }
0x66: {  	s13 =	sadd.s32 $0x1400, s11;
	[sflag:s6] =	ssyncadd.s32 $0xFFFFC000  }
0x67: {  	[spmem:s1] =	stream.indirect.scatter.add.f32 [tilespmem:s31], [sflag:$0x3], $0x80, s13, s30, $0xb8;
	[tilespmem:$0x1E800] =	vst v63  }
0x68: {  	_ =	swait.ge [sflag:s28], $0x4000  }
0x69: {  	[sflag:s28] =	ssyncset.done $0x0  }
0x6a: {  	s14 =	sadd.s32 $0x100, s11;
	[sflag:s28] =	ssyncadd.s32 $0xFFFFC000  }
0x6b: {  	[tilespmem:s31], [sflag:$0x1] =	stream.indirect.gather [hbm4b:s4+s30], $0x80, s14, s30, $0xb8;
	[tilespmem:$0x1E800] =	vst v63  }
0x6c: {  	_ =	swait.ge [sflag:s5], $0x4000  }
0x6d: {  	[sflag:s5] =	ssyncset.done $0x0  }
0x6e: {  	s11 =	sadd.s32 $0x1480, s11;
	[sflag:s5] =	ssyncadd.s32 $0xFFFFC000  }
0x6f: {  	[spmem:s1] =	stream.indirect.scatter.add.f32 [tilespmem:s0], [sflag:$0x3], $0x80, s11, s30, $0xb8;
	[tilespmem:$0x1E800] =	vst v63  }
0x70: {  	_ =	swait.ge [sflag:s28], $0x4000  }
0x71: {  	[sflag:s28] =	ssyncset.done $0x0  }
0x72: {  	[sflag:s28] =	ssyncadd.s32 $0xFFFFC000  }
0x73: {  	[tilespmem:s0], [sflag:$0x2] =	stream.indirect.gather [hbm4b:s4+s30], $0x80, s7, s30, $0xb8;
	[tilespmem:$0x1E800] =	vst v63  }
0x74: {  	_ =	swait.ge [sflag:s6], $0x4000  }
0x75: {  	[sflag:s6] =	ssyncset.done $0x0  }
0x76: {  	[sflag:s6] =	ssyncadd.s32 $0xFFFFC000  }
0x77: {  	[spmem:s1] =	stream.indirect.scatter.add.f32 [tilespmem:s31], [sflag:$0x3], $0x80, s8, s30, $0xb8;
	[tilespmem:$0x1E800] =	vst v63  }
0x78: {  	_ =	swait.ge [sflag:s28], $0x4000  }
0x79: {  	[sflag:s28] =	ssyncset.done $0x0  }
0x7a: {  	[sflag:s28] =	ssyncadd.s32 $0xFFFFC000  }
0x7b: {  	_ =	swait.ge [sflag:s5], $0x4000  }
0x7c: {  	[sflag:s5] =	ssyncset.done $0x0  }
0x7d: {  	[sflag:s5] =	ssyncadd.s32 $0xFFFFC000  }
0x7e: {  	[spmem:s1] =	stream.indirect.scatter.add.f32 [tilespmem:s0], [sflag:$0x3], $0x80, s9, s30, $0xb8;
	[tilespmem:$0x1E800] =	vst v63  }
0x7f: {  	_ =	swait.ge [sflag:s28], $0x4000  }
0x80: {  	[sflag:s28] =	ssyncset.done $0x0  }
0x81: {  	s12 =	simm.s32 $0x0;
	s13 =	rddreg [dreg:$0x6];
	[sflag:s28] =	ssyncadd.s32 $0xFFFFC000  }
0x82: {  	[tilespmem:s12], [sflag:$0x3] =	stream.linear.gather [hbm4b:s13+s12], $0x1400, $0x38;
	[tilespmem:$0x1E800] =	vst v63  }
0x83: {  	_ =	swait.ge [sflag:s28], $0x1400  }
0x84: {  	[sflag:s28] =	ssyncset.done $0x0  }
0x85: {  	s14 =	rddreg [dreg:$0x7];
	[sflag:s28] =	ssyncadd.s32 $0xFFFFEC00  }
0x86: {  	[tilespmem:s29], [sflag:$0x3] =	stream.linear.gather [hbm4b:s14+s12], $0x1400, $0x38;
	[tilespmem:$0x1E800] =	vst v63  }
0x87: {  	_ =	swait.ge [sflag:s28], $0x1400  }
0x88: {  	[sflag:s28] =	ssyncset.done $0x0  }
0x89: {  	[sflag:s28] =	ssyncadd.s32 $0xFFFFEC00  }
0x8a: {  	[tilespmem:s31], [sflag:$0x1] =	stream.indirect.gather [hbm4b:s4+s30], $0x80, s12, s30, $0xb8;
	[tilespmem:$0x1E800] =	vst v63  }
0x8b: {  	s11 =	simm.s32 $0x80  }
0x8c: {  	[tilespmem:s0], [sflag:$0x2] =	stream.indirect.gather [hbm4b:s4+s30], $0x80, s11, s30, $0xb8;
	[tilespmem:$0x1E800] =	vst v63  }
0x8d: {  	_ =	swait.ge [sflag:s6], $0x4000  }
0x8e: {  	[sflag:s6] =	ssyncset.done $0x0  }
0x8f: {  	s12 =	simm.s32 $0x1400;
	[sflag:s6] =	ssyncadd.s32 $0xFFFFC000  }
0x90: {  	[spmem:s1] =	stream.indirect.scatter.add.f32 [tilespmem:s31], [sflag:$0x3], $0x80, s12, s30, $0xb8;
	[tilespmem:$0x1E800] =	vst v63  }
0x91: {  	_ =	swait.ge [sflag:s28], $0x4000  }
0x92: {  	[sflag:s28] =	ssyncset.done $0x0  }
0x93: {  	s13 =	simm.s32 $0x100;
	[sflag:s28] =	ssyncadd.s32 $0xFFFFC000  }
0x94: {  	[tilespmem:s31], [sflag:$0x1] =	stream.indirect.gather [hbm4b:s4+s30], $0x80, s13, s30, $0xb8;
	[tilespmem:$0x1E800] =	vst v63  }
0x95: {  	_ =	swait.ge [sflag:s5], $0x4000  }
0x96: {  	[sflag:s5] =	ssyncset.done $0x0  }
0x97: {  	s14 =	simm.s32 $0x1480;
	[sflag:s5] =	ssyncadd.s32 $0xFFFFC000  }
0x98: {  	[spmem:s1] =	stream.indirect.scatter.add.f32 [tilespmem:s0], [sflag:$0x3], $0x80, s14, s30, $0xb8;
	[tilespmem:$0x1E800] =	vst v63  }
0x99: {  	_ =	swait.ge [sflag:s28], $0x4000  }
0x9a: {  	s3 =	simm.s32 $0x800;
	s11 =	simm.s32 $0x100;
	[sflag:s28] =	ssyncset.done $0x0  }
.LBB2_4:
0x9b: {  	s12 =	sadd.s32 $0x80, s11  }
0x9c: {  	[sflag:s28] =	ssyncadd.s32 $0xFFFFC000;
	s13 =	smov.u32 s3;
	s14 =	sadd.s32 $0x400, s3  }
0x9d: {  	[tilespmem:s0], [sflag:$0x2] =	stream.indirect.gather [hbm4b:s4+s30], $0x80, s12, s30, $0xb8;
	[tilespmem:$0x1E800] =	vst v63  }
0x9e: {  	p2 =	sne.s32 s3, $0x4800;
	_ =	swait.ge [sflag:s6], $0x4000  }
0x9f: {  	[sflag:s6] =	ssyncset.done $0x0  }
0xa0: {  	s3 =	sadd.s32 $0x1400, s11;
	[sflag:s6] =	ssyncadd.s32 $0xFFFFC000  }
0xa1: {  	[spmem:s1] =	stream.indirect.scatter.add.f32 [tilespmem:s31], [sflag:$0x3], $0x80, s3, s30, $0xb8;
	[tilespmem:$0x1E800] =	vst v63  }
0xa2: {  	_ =	swait.ge [sflag:s28], $0x4000  }
0xa3: {  	[sflag:s28] =	ssyncset.done $0x0  }
0xa4: {  	s3 =	sadd.s32 $0x100, s11;
	[sflag:s28] =	ssyncadd.s32 $0xFFFFC000  }
0xa5: {  	[tilespmem:s31], [sflag:$0x1] =	stream.indirect.gather [hbm4b:s4+s30], $0x80, s3, s30, $0xb8;
	[tilespmem:$0x1E800] =	vst v63  }
0xa6: {  	_ =	swait.ge [sflag:s5], $0x4000  }
.Ltmp1:
0xa7: {  	[sflag:s5] =	ssyncset.done $0x0;
	(pc) =	sbr.rel @p2 .LBB2_4-.Ltmp1, $4  }
0xa8: {  	s3 =	sadd.s32 $0x1480, s11;
	[sflag:s5] =	ssyncadd.s32 $0xFFFFC000  }
0xa9: {  	[spmem:s1] =	stream.indirect.scatter.add.f32 [tilespmem:s0], [sflag:$0x3], $0x80, s3, s30, $0xb8;
	[tilespmem:$0x1E800] =	vst v63  }
0xaa: {  	_ =	swait.ge [sflag:s28], $0x4000  }
0xab: {  	s11 =	sshra.s32 s13, $0x2;
	s3 =	smov.u32 s14;
	[sflag:s28] =	ssyncset.done $0x0  }
0xac: {  	s3 =	sadd.s32 $0x80, s11;
	[sflag:s28] =	ssyncadd.s32 $0xFFFFC000  }
0xad: {  	[tilespmem:s0], [sflag:$0x2] =	stream.indirect.gather [hbm4b:s4+s30], $0x80, s3, s30, $0xb8;
	[tilespmem:$0x1E800] =	vst v63  }
0xae: {  	_ =	swait.ge [sflag:s6], $0x4000  }
0xaf: {  	[sflag:s6] =	ssyncset.done $0x0  }
0xb0: {  	s14 =	sadd.s32 $0x1400, s11;
	[sflag:s6] =	ssyncadd.s32 $0xFFFFC000  }
0xb1: {  	[spmem:s1] =	stream.indirect.scatter.add.f32 [tilespmem:s31], [sflag:$0x3], $0x80, s14, s30, $0xb8;
	[tilespmem:$0x1E800] =	vst v63  }
0xb2: {  	_ =	swait.ge [sflag:s28], $0x4000  }
0xb3: {  	[sflag:s28] =	ssyncset.done $0x0  }
0xb4: {  	s12 =	sadd.s32 $0x100, s11;
	[sflag:s28] =	ssyncadd.s32 $0xFFFFC000  }
0xb5: {  	[tilespmem:s31], [sflag:$0x1] =	stream.indirect.gather [hbm4b:s4+s30], $0x80, s12, s30, $0xb8;
	[tilespmem:$0x1E800] =	vst v63  }
0xb6: {  	_ =	swait.ge [sflag:s5], $0x4000  }
0xb7: {  	[sflag:s5] =	ssyncset.done $0x0  }
0xb8: {  	s13 =	sadd.s32 $0x1480, s11;
	[sflag:s5] =	ssyncadd.s32 $0xFFFFC000  }
0xb9: {  	[spmem:s1] =	stream.indirect.scatter.add.f32 [tilespmem:s0], [sflag:$0x3], $0x80, s13, s30, $0xb8;
	[tilespmem:$0x1E800] =	vst v63  }
0xba: {  	_ =	swait.ge [sflag:s28], $0x4000  }
0xbb: {  	[sflag:s28] =	ssyncset.done $0x0  }
0xbc: {  	[sflag:s28] =	ssyncadd.s32 $0xFFFFC000  }
0xbd: {  	[tilespmem:s0], [sflag:$0x2] =	stream.indirect.gather [hbm4b:s4+s30], $0x80, s7, s30, $0xb8;
	[tilespmem:$0x1E800] =	vst v63  }
0xbe: {  	_ =	swait.ge [sflag:s6], $0x4000  }
0xbf: {  	[sflag:s6] =	ssyncset.done $0x0  }
0xc0: {  	[sflag:s6] =	ssyncadd.s32 $0xFFFFC000  }
0xc1: {  	[spmem:s1] =	stream.indirect.scatter.add.f32 [tilespmem:s31], [sflag:$0x3], $0x80, s8, s30, $0xb8;
	[tilespmem:$0x1E800] =	vst v63  }
0xc2: {  	_ =	swait.ge [sflag:s28], $0x4000  }
0xc3: {  	[sflag:s28] =	ssyncset.done $0x0  }
0xc4: {  	[sflag:s28] =	ssyncadd.s32 $0xFFFFC000  }
0xc5: {  	_ =	swait.ge [sflag:s5], $0x4000  }
0xc6: {  	[sflag:s5] =	ssyncset.done $0x0  }
0xc7: {  	[sflag:s5] =	ssyncadd.s32 $0xFFFFC000  }
0xc8: {  	[spmem:s1] =	stream.indirect.scatter.add.f32 [tilespmem:s0], [sflag:$0x3], $0x80, s9, s30, $0xb8;
	[tilespmem:$0x1E800] =	vst v63  }
0xc9: {  	_ =	swait.ge [sflag:s28], $0x4000  }
0xca: {  	[sflag:s28] =	ssyncset.done $0x0  }
0xcb: {  	[sflag:s28] =	ssyncadd.s32 $0xFFFFC000  }
0xcc: {  	[bflag:$0x0] =	sbarrier.arrive $0xFFFF  }
0xcd: {  	[tilespmem:s31], [sflag:$0x3] =	stream.linear.gather [spmem:s15], $0x4000, $0x38;
	[tilespmem:$0x1E800] =	vst v63  }
0xce: {  	_ =	swait.ge [sflag:s28], $0x4000  }
0xcf: {  	[sflag:s28] =	ssyncset.done $0x0  }
0xd0: {  	s14 =	rddreg [dreg:$0x8];
	[sflag:s28] =	ssyncadd.s32 $0xFFFFC000  }
0xd1: {  	[hbm4b:s14+s2] =	stream.linear.scatter [tilespmem:s31], [sflag:$0x3], $0x4000, $0x38;
	[tilespmem:$0x1E800] =	vst v63  }
0xd2: {  	_ =	swait.ge [sflag:s28], $0x4000  }
0xd3: {  	[sflag:s28] =	ssyncset.done $0x0  }
0xd4: {  	[sflag:s28] =	ssyncadd.s32 $0xFFFFC000  }
0xd5: {  	[tilespmem:s31], [sflag:$0x3] =	stream.linear.gather [spmem:s20], $0x4000, $0x38;
	[tilespmem:$0x1E800] =	vst v63  }
0xd6: {  	_ =	swait.ge [sflag:s28], $0x4000  }
0xd7: {  	[sflag:s28] =	ssyncset.done $0x0  }
0xd8: {  	s11 =	rddreg [dreg:$0x9];
	[sflag:s28] =	ssyncadd.s32 $0xFFFFC000  }
0xd9: {  	[hbm4b:s11+s2] =	stream.linear.scatter [tilespmem:s31], [sflag:$0x3], $0x4000, $0x38;
	[tilespmem:$0x1E800] =	vst v63  }
0xda: {  	_ =	swait.ge [sflag:s28], $0x4000  }
0xdb: {  	[sflag:s28] =	ssyncset.done $0x0  }
0xdc: {  	[sflag:s28] =	ssyncadd.s32 $0xFFFFC000  }
0xdd: {  	[tilespmem:s31], [sflag:$0x3] =	stream.linear.gather [spmem:s21], $0x4000, $0x38;
	[tilespmem:$0x1E800] =	vst v63  }
0xde: {  	_ =	swait.ge [sflag:s28], $0x4000  }
0xdf: {  	[sflag:s28] =	ssyncset.done $0x0  }
0xe0: {  	s12 =	rddreg [dreg:$0xa];
	[sflag:s28] =	ssyncadd.s32 $0xFFFFC000  }
0xe1: {  	[hbm4b:s12+s2] =	stream.linear.scatter [tilespmem:s31], [sflag:$0x3], $0x4000, $0x38;
	[tilespmem:$0x1E800] =	vst v63  }
0xe2: {  	_ =	swait.ge [sflag:s28], $0x4000  }
0xe3: {  	[sflag:s28] =	ssyncset.done $0x0  }
0xe4: {  	[sflag:s28] =	ssyncadd.s32 $0xFFFFC000  }
0xe5: {  	[tilespmem:s31], [sflag:$0x3] =	stream.linear.gather [spmem:s22], $0x4000, $0x38;
	[tilespmem:$0x1E800] =	vst v63  }
0xe6: {  	_ =	swait.ge [sflag:s28], $0x4000  }
0xe7: {  	[sflag:s28] =	ssyncset.done $0x0  }
0xe8: {  	s13 =	rddreg [dreg:$0xb];
	[sflag:s28] =	ssyncadd.s32 $0xFFFFC000  }
0xe9: {  	[hbm4b:s13+s2] =	stream.linear.scatter [tilespmem:s31], [sflag:$0x3], $0x4000, $0x38;
	[tilespmem:$0x1E800] =	vst v63  }
0xea: {  	_ =	swait.ge [sflag:s28], $0x4000  }
0xeb: {  	[sflag:s28] =	ssyncset.done $0x0  }
0xec: {  	[sflag:s28] =	ssyncadd.s32 $0xFFFFC000  }
0xed: {  	[tilespmem:s31], [sflag:$0x3] =	stream.linear.gather [spmem:s23], $0x4000, $0x38;
	[tilespmem:$0x1E800] =	vst v63  }
0xee: {  	s10 =	sadd.s32 $0x1, s10;
	_ =	swait.ge [sflag:s28], $0x4000  }
0xef: {  	p2 =	sne.s32 s10, s19;
	[sflag:s28] =	ssyncset.done $0x0  }
.Ltmp2:
0xf0: {  	s14 =	rddreg [dreg:$0xc];
	[sflag:s28] =	ssyncadd.s32 $0xFFFFC000;
	(pc) =	sbr.rel @p2 .LBB2_1-.Ltmp2, $4  }
0xf1: {  	[hbm4b:s14+s2] =	stream.linear.scatter [tilespmem:s31], [sflag:$0x3], $0x4000, $0x38;
	[tilespmem:$0x1E800] =	vst v63  }
0xf2: {  	_ =	swait.ge [sflag:s28], $0x4000  }
0xf3: {  	[sflag:s28] =	ssyncset.done $0x0  }
0xf4: {  	[sflag:s28] =	ssyncadd.s32 $0xFFFFC000  }
0xf5: {  	_ =	sfence.sel $0x180000  }
0xf6: {  	[bflag:$0x0] =	sbarrier.arrive $0xFFFF  }
0xf7: {  	_ =	strace $0x9000004A  }
0xf8: {  	s0 =	stileid.u32;
	[bflag:$0x2] =	sbarrier.arrive $0xFFFF  }
0xf9: {  	p0 =	sne.s32 s0, $0x0;
	s0 =	rddreg [dreg:$0x3]  }
0xfa: {  	s0 =	sadd.s32 @!p0 $0x100000, s0  }
0xfb: {  	[sflag:s0] =	ssyncadd.tile.s32 @!p0 $0x1;
	_ =	shalt  }
.Lfunc_end2:
_tile_overlayer_lowered:
.L_overlay_start_2:
0xfc: {  	(tag) =	ssettag $0x2  }
0xfd: {  	s0 =	rddreg [dreg:$0x0];
	s2 =	stileid.u32  }
0xfe: {  	s1 =	rddreg [dreg:$0x1];
	p0 =	sne.s32 s2, $0x0  }
0xff: {  	s3 =	rddreg [dreg:$0x2];
	[bflag:$0x3] =	sbarrier.arrive $0xFFFF;
	s2 =	simm.s32 @!p0 $0x1C03  }
0x100: {  	[timem:s3], [sflag:s2] =	dma.local @!p0 [hbm:s0], s1  }
0x101: {  	s0 =	simm.s32 @!p0 $0x3  }
0x102: {  	_ =	swait.ge @!p0 [sflag:s0], s1  }
0x103: {  	s1 =	ssub.s32 @!p0 $0x0, s1;
	[sflag:s0] =	ssyncset.done @!p0 $0x0  }
0x104: {  	[sflag:s0] =	ssyncadd.s32 @!p0 s1  }
0x105: {  	[bflag:$0x3] =	sbarrier.arrive $0xFFFF  }
0x106: {  	_ =	shalt  }

</sc_bundles>
